<compile_context>
chip_gen: v7x
topology: tpu7x:2x2x1
jax: 0.10.2.dev20260603
libtpu: 0.0.44.dev20260713+nightly
codegen_flags: <defaults>
</compile_context>

<pallas_src>
import functools

import jax
import jax.numpy as jnp
from jax import lax
from jax.experimental import pallas as pl
from jax.experimental.pallas import tpu as pltpu
from jax.experimental.pallas import tpu_sc as plsc

_DIM = 64
_NC = 2
_NS = 16
_NW = _NC * _NS
_CHUNK = 256
_NBUF = 5


@functools.partial(jax.jit, static_argnames=("total",))
def _sc_gather(x_flat, table, total):
    n_per_w = total // _NW
    n_chunks = n_per_w // _CHUNK
    assert n_chunks % _NBUF == 0
    mesh = plsc.VectorSubcoreMesh(core_axis_name="c", subcore_axis_name="s")

    @functools.partial(
        pl.kernel,
        mesh=mesh,
        out_type=jax.ShapeDtypeStruct((total, _DIM), jnp.float32),
        scratch_types=[
            pltpu.VMEM((n_per_w,), jnp.int32),
            pltpu.VMEM((_NBUF, _CHUNK, _DIM), jnp.float32),
            pltpu.SemaphoreType.DMA((_NBUF,)),
            pltpu.SemaphoreType.DMA((_NBUF,)),
        ],
        compiler_params=pltpu.CompilerParams(use_tc_tiling_on_sc=False),
    )
    def k(x_hbm, table_hbm, out_hbm, idx_v, rows_v, gsem, osem):
        wid = lax.axis_index("s") * _NC + lax.axis_index("c")
        base = wid * n_per_w
        pltpu.sync_copy(x_hbm.at[pl.ds(base, n_per_w)], idx_v)

        for b in range(_NBUF - 1):
            pltpu.async_copy(
                table_hbm.at[idx_v.at[pl.ds(b * _CHUNK, _CHUNK)]],
                rows_v.at[b],
                gsem.at[b],
            )

        @pl.loop(0, n_chunks, step=_NBUF)
        def _outer(g):
            for b in range(_NBUF):
                j = g + b
                sf = (b - 1) % _NBUF

                @pl.when(j >= 1)
                def _():
                    pltpu.make_async_copy(
                        rows_v.at[sf],
                        out_hbm.at[pl.ds(base, _CHUNK)],
                        osem.at[sf],
                    ).wait()

                @pl.when(j + _NBUF - 1 < n_chunks)
                def _():
                    pltpu.async_copy(
                        table_hbm.at[idx_v.at[pl.ds((j + _NBUF - 1) * _CHUNK, _CHUNK)]],
                        rows_v.at[sf],
                        gsem.at[sf],
                    )

                pltpu.make_async_copy(
                    table_hbm.at[idx_v.at[pl.ds(j * _CHUNK, _CHUNK)]],
                    rows_v.at[b],
                    gsem.at[b],
                ).wait()
                pltpu.async_copy(
                    rows_v.at[b],
                    out_hbm.at[pl.ds(base + j * _CHUNK, _CHUNK)],
                    osem.at[b],
                )

        pltpu.make_async_copy(
            rows_v.at[_NBUF - 1],
            out_hbm.at[pl.ds(base, _CHUNK)],
            osem.at[_NBUF - 1],
        ).wait()

    return k(x_flat, table)


def kernel(x, table):
    batch, hist = x.shape
    total = batch * hist
    xf = x.reshape(-1).astype(jnp.int32)
    out = _sc_gather(xf, table, total)
    return out.reshape(batch, hist, _DIM)

# --- scband reference (transcript-rebuilt; emitter-appended) ---
"""Pipeline reference for scband-embed-54159537603051 (READ-ONLY COPY).

The authoritative reference and input builder live on the scoring server;
editing this copy changes nothing except your own understanding.
"""

import jax, jax.numpy as jnp
import numpy as np

NUM_EMBEDDINGS = 1000000
EMBEDDING_DIM = 64
BATCH = 4096
HIST_LEN = 50


def setup_inputs(seed: int = 0) -> dict:
    key = jax.random.key(seed)
    k_idx, k_tab = jax.random.split(key)
    x = jax.random.randint(k_idx, (BATCH, HIST_LEN), 0, NUM_EMBEDDINGS, dtype=jnp.int64 if jax.config.jax_enable_x64 else jnp.int32)
    table = jax.random.normal(k_tab, (NUM_EMBEDDINGS, EMBEDDING_DIM), dtype=jnp.float32)
    return {"x": x, "table": table}


def reference(x, table):
    # Embed.forward with norm=False, noise=0.0, dropout=0.0 (eval / no-op regularization):
    # embeddings = self.embedding(x) -> plain gather from embedding table.
    embeddings = jnp.take(table, x, axis=0)
    return embeddings

if __name__ == "__main__":
    import jax
    _d = setup_inputs()
    print(jax.jit(kernel)(*tuple(_d.values())))

</pallas_src>

<mosaic_0001>
#map = affine_map<(d0, d1) -> (0)>
#map1 = affine_map<(d0, d1) -> (0, 0)>
module attributes {stable_mosaic.version = 14 : i64} {
  func.func @k(%arg0: i32, %arg1: i32, %arg2: memref<204800xi32, #tpu.memory_space<hbm>>, %arg3: memref<1000000x64xf32, #tpu.memory_space<hbm>>, %arg4: memref<204800x64xf32, #tpu.memory_space<hbm>>, %arg5: memref<6400xi32, #tpu.memory_space<vmem>>, %arg6: memref<5x256x64xf32, #tpu.memory_space<vmem>>, %arg7: memref<5x!tpu.dma_semaphore, #tpu.memory_space<semaphore_mem>>, %arg8: memref<5x!tpu.dma_semaphore, #tpu.memory_space<semaphore_mem>>) attributes {dimension_semantics = [#tpu.dimension_semantics<core_parallel>, #tpu.dimension_semantics<subcore_parallel>], iteration_bounds = array<i64: 2, 16>, scalar_prefetch = 0 : i64, scratch_operands = 4 : i64, tpu.core_type = #tpu.core_type<sc_vector_subcore>, window_params = [{transform_indices = #map}, {transform_indices = #map1}, {transform_indices = #map1}]} {
    %mul3A = arith.constant 2 : i32
    %mul3A_0 = arith.muli %arg1, %mul3A : i32
    %add3A = arith.addi %mul3A_0, %arg0 : i32
    %mul3A_1 = arith.constant 6400 : i32
    %mul3A_2 = arith.muli %add3A, %mul3A_1 : i32
    "tpu.region"() ({
      %run_scoped3A = tpu.sem_alloc : memref<!tpu.dma_semaphore, #tpu.memory_space<semaphore_mem>>
      %dma_start3A_73 = tpu.memref_slice %arg2[%mul3A_2] : memref<204800xi32, #tpu.memory_space<hbm>> -> memref<6400xi32, #tpu.memory_space<hbm>>
      %dma_start3A_74 = tpu.memref_slice %arg2[%mul3A_2] : memref<204800xi32, #tpu.memory_space<hbm>> -> memref<6400xi32, #tpu.memory_space<hbm>>
      tpu.enqueue_dma source(%dma_start3A_74 : memref<6400xi32, #tpu.memory_space<hbm>>) target(%arg5 : memref<6400xi32, #tpu.memory_space<vmem>>) target_semaphore(%run_scoped3A : memref<!tpu.dma_semaphore, #tpu.memory_space<semaphore_mem>>)
      %dma_wait3A_75 = tpu.memref_slice %arg2[%mul3A_2] : memref<204800xi32, #tpu.memory_space<hbm>> -> memref<6400xi32, #tpu.memory_space<hbm>>
      %dma_wait3A_76 = tpu.memref_slice %arg2[%mul3A_2] : memref<204800xi32, #tpu.memory_space<hbm>> -> memref<6400xi32, #tpu.memory_space<hbm>>
      tpu.wait_dma2 semaphore(%run_scoped3A : memref<!tpu.dma_semaphore, #tpu.memory_space<semaphore_mem>>) src(%dma_wait3A_76 : memref<6400xi32, #tpu.memory_space<hbm>>) dst(%arg5 : memref<6400xi32, #tpu.memory_space<vmem>>)
      tpu.yield
    }) : () -> ()
    %dma_start3A = arith.constant 0 : i32
    %dma_start3A_3 = arith.constant 0 : i32
    %dma_start3A_4 = arith.constant 0 : i32
    %dma_start3A_5 = arith.constant 0 : i32
    %dma_start3A_6 = tpu.memref_slice %arg6[%dma_start3A, %dma_start3A_4, %dma_start3A_5] : memref<5x256x64xf32, #tpu.memory_space<vmem>> -> memref<1x256x64xf32, #tpu.memory_space<vmem>>
    %dma_start3A_7 = tpu.memref_squeeze %dma_start3A_6 : memref<1x256x64xf32, #tpu.memory_space<vmem>> -> memref<256x64xf32, #tpu.memory_space<vmem>>
    %dma_start3A_8 = arith.constant 0 : i32
    %dma_start3A_9 = tpu.memref_slice %arg5[%dma_start3A_8] : memref<6400xi32, #tpu.memory_space<vmem>> -> memref<256xi32, #tpu.memory_space<vmem>>
    %dma_start3A_10 = arith.constant 0 : i32
    %dma_start3A_11 = arith.constant 0 : i32
    %dma_start3A_12 = tpu.memref_slice %arg3[%dma_start3A_10, %dma_start3A_11] : memref<1000000x64xf32, #tpu.memory_space<hbm>> -> memref<1000000x64xf32, #tpu.memory_space<hbm>>
    %dma_start3A_13 = tpu.memref_slice %arg7[%dma_start3A_3] : memref<5x!tpu.dma_semaphore, #tpu.memory_space<semaphore_mem>> -> memref<1x!tpu.dma_semaphore, #tpu.memory_space<semaphore_mem>>
    %dma_start3A_14 = tpu.memref_squeeze %dma_start3A_13 : memref<1x!tpu.dma_semaphore, #tpu.memory_space<semaphore_mem>> -> memref<!tpu.dma_semaphore, #tpu.memory_space<semaphore_mem>>
    tpu.enqueue_indirect_dma source(%dma_start3A_12 : memref<1000000x64xf32, #tpu.memory_space<hbm>>) target(%dma_start3A_7 : memref<256x64xf32, #tpu.memory_space<vmem>>) offsets(%dma_start3A_9 : memref<256xi32, #tpu.memory_space<vmem>>) semaphore(%dma_start3A_14 : memref<!tpu.dma_semaphore, #tpu.memory_space<semaphore_mem>>)
    %dma_start3A_15 = arith.constant 1 : i32
    %dma_start3A_16 = arith.constant 1 : i32
    %dma_start3A_17 = arith.constant 0 : i32
    %dma_start3A_18 = arith.constant 0 : i32
    %dma_start3A_19 = tpu.memref_slice %arg6[%dma_start3A_15, %dma_start3A_17, %dma_start3A_18] : memref<5x256x64xf32, #tpu.memory_space<vmem>> -> memref<1x256x64xf32, #tpu.memory_space<vmem>>
    %dma_start3A_20 = tpu.memref_squeeze %dma_start3A_19 : memref<1x256x64xf32, #tpu.memory_space<vmem>> -> memref<256x64xf32, #tpu.memory_space<vmem>>
    %dma_start3A_21 = arith.constant 256 : i32
    %dma_start3A_22 = tpu.memref_slice %arg5[%dma_start3A_21] : memref<6400xi32, #tpu.memory_space<vmem>> -> memref<256xi32, #tpu.memory_space<vmem>>
    %dma_start3A_23 = arith.constant 0 : i32
    %dma_start3A_24 = arith.constant 0 : i32
    %dma_start3A_25 = tpu.memref_slice %arg3[%dma_start3A_23, %dma_start3A_24] : memref<1000000x64xf32, #tpu.memory_space<hbm>> -> memref<1000000x64xf32, #tpu.memory_space<hbm>>
    %dma_start3A_26 = tpu.memref_slice %arg7[%dma_start3A_16] : memref<5x!tpu.dma_semaphore, #tpu.memory_space<semaphore_mem>> -> memref<1x!tpu.dma_semaphore, #tpu.memory_space<semaphore_mem>>
    %dma_start3A_27 = tpu.memref_squeeze %dma_start3A_26 : memref<1x!tpu.dma_semaphore, #tpu.memory_space<semaphore_mem>> -> memref<!tpu.dma_semaphore, #tpu.memory_space<semaphore_mem>>
    tpu.enqueue_indirect_dma source(%dma_start3A_25 : memref<1000000x64xf32, #tpu.memory_space<hbm>>) target(%dma_start3A_20 : memref<256x64xf32, #tpu.memory_space<vmem>>) offsets(%dma_start3A_22 : memref<256xi32, #tpu.memory_space<vmem>>) semaphore(%dma_start3A_27 : memref<!tpu.dma_semaphore, #tpu.memory_space<semaphore_mem>>)
    %dma_start3A_28 = arith.constant 2 : i32
    %dma_start3A_29 = arith.constant 2 : i32
    %dma_start3A_30 = arith.constant 0 : i32
    %dma_start3A_31 = arith.constant 0 : i32
    %dma_start3A_32 = tpu.memref_slice %arg6[%dma_start3A_28, %dma_start3A_30, %dma_start3A_31] : memref<5x256x64xf32, #tpu.memory_space<vmem>> -> memref<1x256x64xf32, #tpu.memory_space<vmem>>
    %dma_start3A_33 = tpu.memref_squeeze %dma_start3A_32 : memref<1x256x64xf32, #tpu.memory_space<vmem>> -> memref<256x64xf32, #tpu.memory_space<vmem>>
    %dma_start3A_34 = arith.constant 512 : i32
    %dma_start3A_35 = tpu.memref_slice %arg5[%dma_start3A_34] : memref<6400xi32, #tpu.memory_space<vmem>> -> memref<256xi32, #tpu.memory_space<vmem>>
    %dma_start3A_36 = arith.constant 0 : i32
    %dma_start3A_37 = arith.constant 0 : i32
    %dma_start3A_38 = tpu.memref_slice %arg3[%dma_start3A_36, %dma_start3A_37] : memref<1000000x64xf32, #tpu.memory_space<hbm>> -> memref<1000000x64xf32, #tpu.memory_space<hbm>>
    %dma_start3A_39 = tpu.memref_slice %arg7[%dma_start3A_29] : memref<5x!tpu.dma_semaphore, #tpu.memory_space<semaphore_mem>> -> memref<1x!tpu.dma_semaphore, #tpu.memory_space<semaphore_mem>>
    %dma_start3A_40 = tpu.memref_squeeze %dma_start3A_39 : memref<1x!tpu.dma_semaphore, #tpu.memory_space<semaphore_mem>> -> memref<!tpu.dma_semaphore, #tpu.memory_space<semaphore_mem>>
    tpu.enqueue_indirect_dma source(%dma_start3A_38 : memref<1000000x64xf32, #tpu.memory_space<hbm>>) target(%dma_start3A_33 : memref<256x64xf32, #tpu.memory_space<vmem>>) offsets(%dma_start3A_35 : memref<256xi32, #tpu.memory_space<vmem>>) semaphore(%dma_start3A_40 : memref<!tpu.dma_semaphore, #tpu.memory_space<semaphore_mem>>)
    %dma_start3A_41 = arith.constant 3 : i32
    %dma_start3A_42 = arith.constant 3 : i32
    %dma_start3A_43 = arith.constant 0 : i32
    %dma_start3A_44 = arith.constant 0 : i32
    %dma_start3A_45 = tpu.memref_slice %arg6[%dma_start3A_41, %dma_start3A_43, %dma_start3A_44] : memref<5x256x64xf32, #tpu.memory_space<vmem>> -> memref<1x256x64xf32, #tpu.memory_space<vmem>>
    %dma_start3A_46 = tpu.memref_squeeze %dma_start3A_45 : memref<1x256x64xf32, #tpu.memory_space<vmem>> -> memref<256x64xf32, #tpu.memory_space<vmem>>
    %dma_start3A_47 = arith.constant 768 : i32
    %dma_start3A_48 = tpu.memref_slice %arg5[%dma_start3A_47] : memref<6400xi32, #tpu.memory_space<vmem>> -> memref<256xi32, #tpu.memory_space<vmem>>
    %dma_start3A_49 = arith.constant 0 : i32
    %dma_start3A_50 = arith.constant 0 : i32
    %dma_start3A_51 = tpu.memref_slice %arg3[%dma_start3A_49, %dma_start3A_50] : memref<1000000x64xf32, #tpu.memory_space<hbm>> -> memref<1000000x64xf32, #tpu.memory_space<hbm>>
    %dma_start3A_52 = tpu.memref_slice %arg7[%dma_start3A_42] : memref<5x!tpu.dma_semaphore, #tpu.memory_space<semaphore_mem>> -> memref<1x!tpu.dma_semaphore, #tpu.memory_space<semaphore_mem>>
    %dma_start3A_53 = tpu.memref_squeeze %dma_start3A_52 : memref<1x!tpu.dma_semaphore, #tpu.memory_space<semaphore_mem>> -> memref<!tpu.dma_semaphore, #tpu.memory_space<semaphore_mem>>
    tpu.enqueue_indirect_dma source(%dma_start3A_51 : memref<1000000x64xf32, #tpu.memory_space<hbm>>) target(%dma_start3A_46 : memref<256x64xf32, #tpu.memory_space<vmem>>) offsets(%dma_start3A_48 : memref<256xi32, #tpu.memory_space<vmem>>) semaphore(%dma_start3A_53 : memref<!tpu.dma_semaphore, #tpu.memory_space<semaphore_mem>>)
    %scan3A = arith.constant 0 : i32
    %scan3A_54 = arith.constant 5 : i32
    %scan3A_55 = arith.addi %scan3A, %scan3A_54 : i32
    %scan3A_56 = arith.constant 1 : i32
    scf.for %scan3A_73 = %scan3A to %scan3A_55 step %scan3A_56  : i32 {
      %mul3A_74 = arith.constant 5 : i32
      %mul3A_75 = arith.muli %scan3A_73, %mul3A_74 : i32
      %add3A_76 = arith.constant 0 : i32
      %add3A_77 = arith.addi %add3A_76, %mul3A_75 : i32
      %add3A_78 = arith.constant 0 : i32
      %add3A_79 = arith.addi %add3A_77, %add3A_78 : i32
      %ge3A = arith.constant 1 : i32
      %ge3A_80 = arith.cmpi sge, %add3A_79, %ge3A : i32
      %convert_element_type3A = arith.extui %ge3A_80 : i1 to i32
      %cond3A = arith.constant 0 : i32
      %cond3A_81 = arith.cmpi ne, %convert_element_type3A, %cond3A : i32
      scf.if %cond3A_81 {
        %dma_wait3A_318 = arith.constant 4 : i32
        %dma_wait3A_319 = arith.constant 4 : i32
        %dma_wait3A_320 = arith.constant 0 : i32
        %dma_wait3A_321 = arith.constant 0 : i32
        %dma_wait3A_322 = tpu.memref_slice %arg6[%dma_wait3A_318, %dma_wait3A_320, %dma_wait3A_321] : memref<5x256x64xf32, #tpu.memory_space<vmem>> -> memref<1x256x64xf32, #tpu.memory_space<vmem>>
        %dma_wait3A_323 = tpu.memref_squeeze %dma_wait3A_322 : memref<1x256x64xf32, #tpu.memory_space<vmem>> -> memref<256x64xf32, #tpu.memory_space<vmem>>
        %dma_wait3A_324 = arith.constant 0 : i32
        %dma_wait3A_325 = tpu.memref_slice %arg4[%mul3A_2, %dma_wait3A_324] : memref<204800x64xf32, #tpu.memory_space<hbm>> -> memref<256x64xf32, #tpu.memory_space<hbm>>
        %dma_wait3A_326 = tpu.memref_slice %arg8[%dma_wait3A_319] : memref<5x!tpu.dma_semaphore, #tpu.memory_space<semaphore_mem>> -> memref<1x!tpu.dma_semaphore, #tpu.memory_space<semaphore_mem>>
        %dma_wait3A_327 = tpu.memref_squeeze %dma_wait3A_326 : memref<1x!tpu.dma_semaphore, #tpu.memory_space<semaphore_mem>> -> memref<!tpu.dma_semaphore, #tpu.memory_space<semaphore_mem>>
        %dma_wait3A_328 = arith.constant 0 : i32
        %dma_wait3A_329 = tpu.memref_slice %arg4[%mul3A_2, %dma_wait3A_328] : memref<204800x64xf32, #tpu.memory_space<hbm>> -> memref<256x64xf32, #tpu.memory_space<hbm>>
        %dma_wait3A_330 = arith.constant 0 : i32
        %dma_wait3A_331 = arith.constant 0 : i32
        %dma_wait3A_332 = tpu.memref_slice %arg6[%dma_wait3A_318, %dma_wait3A_330, %dma_wait3A_331] : memref<5x256x64xf32, #tpu.memory_space<vmem>> -> memref<1x256x64xf32, #tpu.memory_space<vmem>>
        %dma_wait3A_333 = tpu.memref_squeeze %dma_wait3A_332 : memref<1x256x64xf32, #tpu.memory_space<vmem>> -> memref<256x64xf32, #tpu.memory_space<vmem>>
        tpu.wait_dma2 semaphore(%dma_wait3A_327 : memref<!tpu.dma_semaphore, #tpu.memory_space<semaphore_mem>>) src(%dma_wait3A_333 : memref<256x64xf32, #tpu.memory_space<vmem>>) dst(%dma_wait3A_329 : memref<256x64xf32, #tpu.memory_space<hbm>>)
      } else {
      }
      %add3A_82 = arith.constant 5 : i32
      %add3A_83 = arith.addi %add3A_79, %add3A_82 : i32
      %sub3A = arith.constant 1 : i32
      %sub3A_84 = arith.subi %add3A_83, %sub3A : i32
      %lt3A = arith.constant 25 : i32
      %lt3A_85 = arith.cmpi slt, %sub3A_84, %lt3A : i32
      %convert_element_type3A_86 = arith.extui %lt3A_85 : i1 to i32
      %cond3A_87 = arith.constant 0 : i32
      %cond3A_88 = arith.cmpi ne, %convert_element_type3A_86, %cond3A_87 : i32
      scf.if %cond3A_88 {
        %add3A_318 = arith.constant 5 : i32
        %add3A_319 = arith.addi %add3A_79, %add3A_318 : i32
        %sub3A_320 = arith.constant 1 : i32
        %sub3A_321 = arith.subi %add3A_319, %sub3A_320 : i32
        %mul3A_322 = arith.constant 256 : i32
        %mul3A_323 = arith.muli %sub3A_321, %mul3A_322 : i32
        %dma_start3A_324 = arith.constant 4 : i32
        %dma_start3A_325 = arith.constant 4 : i32
        %dma_start3A_326 = arith.constant 0 : i32
        %dma_start3A_327 = arith.constant 0 : i32
        %dma_start3A_328 = tpu.memref_slice %arg6[%dma_start3A_324, %dma_start3A_326, %dma_start3A_327] : memref<5x256x64xf32, #tpu.memory_space<vmem>> -> memref<1x256x64xf32, #tpu.memory_space<vmem>>
        %dma_start3A_329 = tpu.memref_squeeze %dma_start3A_328 : memref<1x256x64xf32, #tpu.memory_space<vmem>> -> memref<256x64xf32, #tpu.memory_space<vmem>>
        %dma_start3A_330 = tpu.memref_slice %arg5[%mul3A_323] : memref<6400xi32, #tpu.memory_space<vmem>> -> memref<256xi32, #tpu.memory_space<vmem>>
        %dma_start3A_331 = arith.constant 0 : i32
        %dma_start3A_332 = arith.constant 0 : i32
        %dma_start3A_333 = tpu.memref_slice %arg3[%dma_start3A_331, %dma_start3A_332] : memref<1000000x64xf32, #tpu.memory_space<hbm>> -> memref<1000000x64xf32, #tpu.memory_space<hbm>>
        %dma_start3A_334 = tpu.memref_slice %arg7[%dma_start3A_325] : memref<5x!tpu.dma_semaphore, #tpu.memory_space<semaphore_mem>> -> memref<1x!tpu.dma_semaphore, #tpu.memory_space<semaphore_mem>>
        %dma_start3A_335 = tpu.memref_squeeze %dma_start3A_334 : memref<1x!tpu.dma_semaphore, #tpu.memory_space<semaphore_mem>> -> memref<!tpu.dma_semaphore, #tpu.memory_space<semaphore_mem>>
        tpu.enqueue_indirect_dma source(%dma_start3A_333 : memref<1000000x64xf32, #tpu.memory_space<hbm>>) target(%dma_start3A_329 : memref<256x64xf32, #tpu.memory_space<vmem>>) offsets(%dma_start3A_330 : memref<256xi32, #tpu.memory_space<vmem>>) semaphore(%dma_start3A_335 : memref<!tpu.dma_semaphore, #tpu.memory_space<semaphore_mem>>)
      } else {
      }
      %mul3A_89 = arith.constant 256 : i32
      %mul3A_90 = arith.muli %add3A_79, %mul3A_89 : i32
      %dma_wait3A_91 = arith.constant 0 : i32
      %dma_wait3A_92 = arith.constant 0 : i32
      %dma_wait3A_93 = arith.constant 0 : i32
      %dma_wait3A_94 = arith.constant 0 : i32
      %dma_wait3A_95 = tpu.memref_slice %arg6[%dma_wait3A_91, %dma_wait3A_93, %dma_wait3A_94] : memref<5x256x64xf32, #tpu.memory_space<vmem>> -> memref<1x256x64xf32, #tpu.memory_space<vmem>>
      %dma_wait3A_96 = tpu.memref_squeeze %dma_wait3A_95 : memref<1x256x64xf32, #tpu.memory_space<vmem>> -> memref<256x64xf32, #tpu.memory_space<vmem>>
      %dma_wait3A_97 = tpu.memref_slice %arg5[%mul3A_90] : memref<6400xi32, #tpu.memory_space<vmem>> -> memref<256xi32, #tpu.memory_space<vmem>>
      %dma_wait3A_98 = arith.constant 0 : i32
      %dma_wait3A_99 = arith.constant 0 : i32
      %dma_wait3A_100 = tpu.memref_slice %arg3[%dma_wait3A_98, %dma_wait3A_99] : memref<1000000x64xf32, #tpu.memory_space<hbm>> -> memref<1000000x64xf32, #tpu.memory_space<hbm>>
      %dma_wait3A_101 = tpu.memref_slice %arg7[%dma_wait3A_92] : memref<5x!tpu.dma_semaphore, #tpu.memory_space<semaphore_mem>> -> memref<1x!tpu.dma_semaphore, #tpu.memory_space<semaphore_mem>>
      %dma_wait3A_102 = tpu.memref_squeeze %dma_wait3A_101 : memref<1x!tpu.dma_semaphore, #tpu.memory_space<semaphore_mem>> -> memref<!tpu.dma_semaphore, #tpu.memory_space<semaphore_mem>>
      tpu.wait_indirect_dma semaphore(%dma_wait3A_102 : memref<!tpu.dma_semaphore, #tpu.memory_space<semaphore_mem>>) src(%dma_wait3A_100 : memref<1000000x64xf32, #tpu.memory_space<hbm>>) dst(%dma_wait3A_96 : memref<256x64xf32, #tpu.memory_space<vmem>>)
      %mul3A_103 = arith.constant 256 : i32
      %mul3A_104 = arith.muli %add3A_79, %mul3A_103 : i32
      %add3A_105 = arith.addi %mul3A_2, %mul3A_104 : i32
      %dma_start3A_106 = arith.constant 0 : i32
      %dma_start3A_107 = arith.constant 0 : i32
      %dma_start3A_108 = arith.constant 0 : i32
      %dma_start3A_109 = arith.constant 0 : i32
      %dma_start3A_110 = tpu.memref_slice %arg6[%dma_start3A_106, %dma_start3A_108, %dma_start3A_109] : memref<5x256x64xf32, #tpu.memory_space<vmem>> -> memref<1x256x64xf32, #tpu.memory_space<vmem>>
      %dma_start3A_111 = tpu.memref_squeeze %dma_start3A_110 : memref<1x256x64xf32, #tpu.memory_space<vmem>> -> memref<256x64xf32, #tpu.memory_space<vmem>>
      %dma_start3A_112 = arith.constant 0 : i32
      %dma_start3A_113 = tpu.memref_slice %arg4[%add3A_105, %dma_start3A_112] : memref<204800x64xf32, #tpu.memory_space<hbm>> -> memref<256x64xf32, #tpu.memory_space<hbm>>
      %dma_start3A_114 = tpu.memref_slice %arg8[%dma_start3A_107] : memref<5x!tpu.dma_semaphore, #tpu.memory_space<semaphore_mem>> -> memref<1x!tpu.dma_semaphore, #tpu.memory_space<semaphore_mem>>
      %dma_start3A_115 = tpu.memref_squeeze %dma_start3A_114 : memref<1x!tpu.dma_semaphore, #tpu.memory_space<semaphore_mem>> -> memref<!tpu.dma_semaphore, #tpu.memory_space<semaphore_mem>>
      %dma_start3A_116 = arith.constant 0 : i32
      %dma_start3A_117 = tpu.memref_slice %arg4[%add3A_105, %dma_start3A_116] : memref<204800x64xf32, #tpu.memory_space<hbm>> -> memref<256x64xf32, #tpu.memory_space<hbm>>
      %dma_start3A_118 = arith.constant 0 : i32
      %dma_start3A_119 = arith.constant 0 : i32
      %dma_start3A_120 = tpu.memref_slice %arg6[%dma_start3A_106, %dma_start3A_118, %dma_start3A_119] : memref<5x256x64xf32, #tpu.memory_space<vmem>> -> memref<1x256x64xf32, #tpu.memory_space<vmem>>
      %dma_start3A_121 = tpu.memref_squeeze %dma_start3A_120 : memref<1x256x64xf32, #tpu.memory_space<vmem>> -> memref<256x64xf32, #tpu.memory_space<vmem>>
      tpu.enqueue_dma source(%dma_start3A_121 : memref<256x64xf32, #tpu.memory_space<vmem>>) target(%dma_start3A_117 : memref<256x64xf32, #tpu.memory_space<hbm>>) target_semaphore(%dma_start3A_115 : memref<!tpu.dma_semaphore, #tpu.memory_space<semaphore_mem>>)
      %add3A_122 = arith.constant 1 : i32
      %add3A_123 = arith.addi %add3A_77, %add3A_122 : i32
      %ge3A_124 = arith.constant 1 : i32
      %ge3A_125 = arith.cmpi sge, %add3A_123, %ge3A_124 : i32
      %convert_element_type3A_126 = arith.extui %ge3A_125 : i1 to i32
      %cond3A_127 = arith.constant 0 : i32
      %cond3A_128 = arith.cmpi ne, %convert_element_type3A_126, %cond3A_127 : i32
      scf.if %cond3A_128 {
        %dma_wait3A_318 = arith.constant 0 : i32
        %dma_wait3A_319 = arith.constant 0 : i32
        %dma_wait3A_320 = arith.constant 0 : i32
        %dma_wait3A_321 = arith.constant 0 : i32
        %dma_wait3A_322 = tpu.memref_slice %arg6[%dma_wait3A_318, %dma_wait3A_320, %dma_wait3A_321] : memref<5x256x64xf32, #tpu.memory_space<vmem>> -> memref<1x256x64xf32, #tpu.memory_space<vmem>>
        %dma_wait3A_323 = tpu.memref_squeeze %dma_wait3A_322 : memref<1x256x64xf32, #tpu.memory_space<vmem>> -> memref<256x64xf32, #tpu.memory_space<vmem>>
        %dma_wait3A_324 = arith.constant 0 : i32
        %dma_wait3A_325 = tpu.memref_slice %arg4[%mul3A_2, %dma_wait3A_324] : memref<204800x64xf32, #tpu.memory_space<hbm>> -> memref<256x64xf32, #tpu.memory_space<hbm>>
        %dma_wait3A_326 = tpu.memref_slice %arg8[%dma_wait3A_319] : memref<5x!tpu.dma_semaphore, #tpu.memory_space<semaphore_mem>> -> memref<1x!tpu.dma_semaphore, #tpu.memory_space<semaphore_mem>>
        %dma_wait3A_327 = tpu.memref_squeeze %dma_wait3A_326 : memref<1x!tpu.dma_semaphore, #tpu.memory_space<semaphore_mem>> -> memref<!tpu.dma_semaphore, #tpu.memory_space<semaphore_mem>>
        %dma_wait3A_328 = arith.constant 0 : i32
        %dma_wait3A_329 = tpu.memref_slice %arg4[%mul3A_2, %dma_wait3A_328] : memref<204800x64xf32, #tpu.memory_space<hbm>> -> memref<256x64xf32, #tpu.memory_space<hbm>>
        %dma_wait3A_330 = arith.constant 0 : i32
        %dma_wait3A_331 = arith.constant 0 : i32
        %dma_wait3A_332 = tpu.memref_slice %arg6[%dma_wait3A_318, %dma_wait3A_330, %dma_wait3A_331] : memref<5x256x64xf32, #tpu.memory_space<vmem>> -> memref<1x256x64xf32, #tpu.memory_space<vmem>>
        %dma_wait3A_333 = tpu.memref_squeeze %dma_wait3A_332 : memref<1x256x64xf32, #tpu.memory_space<vmem>> -> memref<256x64xf32, #tpu.memory_space<vmem>>
        tpu.wait_dma2 semaphore(%dma_wait3A_327 : memref<!tpu.dma_semaphore, #tpu.memory_space<semaphore_mem>>) src(%dma_wait3A_333 : memref<256x64xf32, #tpu.memory_space<vmem>>) dst(%dma_wait3A_329 : memref<256x64xf32, #tpu.memory_space<hbm>>)
      } else {
      }
      %add3A_129 = arith.constant 5 : i32
      %add3A_130 = arith.addi %add3A_123, %add3A_129 : i32
      %sub3A_131 = arith.constant 1 : i32
      %sub3A_132 = arith.subi %add3A_130, %sub3A_131 : i32
      %lt3A_133 = arith.constant 25 : i32
      %lt3A_134 = arith.cmpi slt, %sub3A_132, %lt3A_133 : i32
      %convert_element_type3A_135 = arith.extui %lt3A_134 : i1 to i32
      %cond3A_136 = arith.constant 0 : i32
      %cond3A_137 = arith.cmpi ne, %convert_element_type3A_135, %cond3A_136 : i32
      scf.if %cond3A_137 {
        %add3A_318 = arith.constant 5 : i32
        %add3A_319 = arith.addi %add3A_123, %add3A_318 : i32
        %sub3A_320 = arith.constant 1 : i32
        %sub3A_321 = arith.subi %add3A_319, %sub3A_320 : i32
        %mul3A_322 = arith.constant 256 : i32
        %mul3A_323 = arith.muli %sub3A_321, %mul3A_322 : i32
        %dma_start3A_324 = arith.constant 0 : i32
        %dma_start3A_325 = arith.constant 0 : i32
        %dma_start3A_326 = arith.constant 0 : i32
        %dma_start3A_327 = arith.constant 0 : i32
        %dma_start3A_328 = tpu.memref_slice %arg6[%dma_start3A_324, %dma_start3A_326, %dma_start3A_327] : memref<5x256x64xf32, #tpu.memory_space<vmem>> -> memref<1x256x64xf32, #tpu.memory_space<vmem>>
        %dma_start3A_329 = tpu.memref_squeeze %dma_start3A_328 : memref<1x256x64xf32, #tpu.memory_space<vmem>> -> memref<256x64xf32, #tpu.memory_space<vmem>>
        %dma_start3A_330 = tpu.memref_slice %arg5[%mul3A_323] : memref<6400xi32, #tpu.memory_space<vmem>> -> memref<256xi32, #tpu.memory_space<vmem>>
        %dma_start3A_331 = arith.constant 0 : i32
        %dma_start3A_332 = arith.constant 0 : i32
        %dma_start3A_333 = tpu.memref_slice %arg3[%dma_start3A_331, %dma_start3A_332] : memref<1000000x64xf32, #tpu.memory_space<hbm>> -> memref<1000000x64xf32, #tpu.memory_space<hbm>>
        %dma_start3A_334 = tpu.memref_slice %arg7[%dma_start3A_325] : memref<5x!tpu.dma_semaphore, #tpu.memory_space<semaphore_mem>> -> memref<1x!tpu.dma_semaphore, #tpu.memory_space<semaphore_mem>>
        %dma_start3A_335 = tpu.memref_squeeze %dma_start3A_334 : memref<1x!tpu.dma_semaphore, #tpu.memory_space<semaphore_mem>> -> memref<!tpu.dma_semaphore, #tpu.memory_space<semaphore_mem>>
        tpu.enqueue_indirect_dma source(%dma_start3A_333 : memref<1000000x64xf32, #tpu.memory_space<hbm>>) target(%dma_start3A_329 : memref<256x64xf32, #tpu.memory_space<vmem>>) offsets(%dma_start3A_330 : memref<256xi32, #tpu.memory_space<vmem>>) semaphore(%dma_start3A_335 : memref<!tpu.dma_semaphore, #tpu.memory_space<semaphore_mem>>)
      } else {
      }
      %mul3A_138 = arith.constant 256 : i32
      %mul3A_139 = arith.muli %add3A_123, %mul3A_138 : i32
      %dma_wait3A_140 = arith.constant 1 : i32
      %dma_wait3A_141 = arith.constant 1 : i32
      %dma_wait3A_142 = arith.constant 0 : i32
      %dma_wait3A_143 = arith.constant 0 : i32
      %dma_wait3A_144 = tpu.memref_slice %arg6[%dma_wait3A_140, %dma_wait3A_142, %dma_wait3A_143] : memref<5x256x64xf32, #tpu.memory_space<vmem>> -> memref<1x256x64xf32, #tpu.memory_space<vmem>>
      %dma_wait3A_145 = tpu.memref_squeeze %dma_wait3A_144 : memref<1x256x64xf32, #tpu.memory_space<vmem>> -> memref<256x64xf32, #tpu.memory_space<vmem>>
      %dma_wait3A_146 = tpu.memref_slice %arg5[%mul3A_139] : memref<6400xi32, #tpu.memory_space<vmem>> -> memref<256xi32, #tpu.memory_space<vmem>>
      %dma_wait3A_147 = arith.constant 0 : i32
      %dma_wait3A_148 = arith.constant 0 : i32
      %dma_wait3A_149 = tpu.memref_slice %arg3[%dma_wait3A_147, %dma_wait3A_148] : memref<1000000x64xf32, #tpu.memory_space<hbm>> -> memref<1000000x64xf32, #tpu.memory_space<hbm>>
      %dma_wait3A_150 = tpu.memref_slice %arg7[%dma_wait3A_141] : memref<5x!tpu.dma_semaphore, #tpu.memory_space<semaphore_mem>> -> memref<1x!tpu.dma_semaphore, #tpu.memory_space<semaphore_mem>>
      %dma_wait3A_151 = tpu.memref_squeeze %dma_wait3A_150 : memref<1x!tpu.dma_semaphore, #tpu.memory_space<semaphore_mem>> -> memref<!tpu.dma_semaphore, #tpu.memory_space<semaphore_mem>>
      tpu.wait_indirect_dma semaphore(%dma_wait3A_151 : memref<!tpu.dma_semaphore, #tpu.memory_space<semaphore_mem>>) src(%dma_wait3A_149 : memref<1000000x64xf32, #tpu.memory_space<hbm>>) dst(%dma_wait3A_145 : memref<256x64xf32, #tpu.memory_space<vmem>>)
      %mul3A_152 = arith.constant 256 : i32
      %mul3A_153 = arith.muli %add3A_123, %mul3A_152 : i32
      %add3A_154 = arith.addi %mul3A_2, %mul3A_153 : i32
      %dma_start3A_155 = arith.constant 1 : i32
      %dma_start3A_156 = arith.constant 1 : i32
      %dma_start3A_157 = arith.constant 0 : i32
      %dma_start3A_158 = arith.constant 0 : i32
      %dma_start3A_159 = tpu.memref_slice %arg6[%dma_start3A_155, %dma_start3A_157, %dma_start3A_158] : memref<5x256x64xf32, #tpu.memory_space<vmem>> -> memref<1x256x64xf32, #tpu.memory_space<vmem>>
      %dma_start3A_160 = tpu.memref_squeeze %dma_start3A_159 : memref<1x256x64xf32, #tpu.memory_space<vmem>> -> memref<256x64xf32, #tpu.memory_space<vmem>>
      %dma_start3A_161 = arith.constant 0 : i32
      %dma_start3A_162 = tpu.memref_slice %arg4[%add3A_154, %dma_start3A_161] : memref<204800x64xf32, #tpu.memory_space<hbm>> -> memref<256x64xf32, #tpu.memory_space<hbm>>
      %dma_start3A_163 = tpu.memref_slice %arg8[%dma_start3A_156] : memref<5x!tpu.dma_semaphore, #tpu.memory_space<semaphore_mem>> -> memref<1x!tpu.dma_semaphore, #tpu.memory_space<semaphore_mem>>
      %dma_start3A_164 = tpu.memref_squeeze %dma_start3A_163 : memref<1x!tpu.dma_semaphore, #tpu.memory_space<semaphore_mem>> -> memref<!tpu.dma_semaphore, #tpu.memory_space<semaphore_mem>>
      %dma_start3A_165 = arith.constant 0 : i32
      %dma_start3A_166 = tpu.memref_slice %arg4[%add3A_154, %dma_start3A_165] : memref<204800x64xf32, #tpu.memory_space<hbm>> -> memref<256x64xf32, #tpu.memory_space<hbm>>
      %dma_start3A_167 = arith.constant 0 : i32
      %dma_start3A_168 = arith.constant 0 : i32
      %dma_start3A_169 = tpu.memref_slice %arg6[%dma_start3A_155, %dma_start3A_167, %dma_start3A_168] : memref<5x256x64xf32, #tpu.memory_space<vmem>> -> memref<1x256x64xf32, #tpu.memory_space<vmem>>
      %dma_start3A_170 = tpu.memref_squeeze %dma_start3A_169 : memref<1x256x64xf32, #tpu.memory_space<vmem>> -> memref<256x64xf32, #tpu.memory_space<vmem>>
      tpu.enqueue_dma source(%dma_start3A_170 : memref<256x64xf32, #tpu.memory_space<vmem>>) target(%dma_start3A_166 : memref<256x64xf32, #tpu.memory_space<hbm>>) target_semaphore(%dma_start3A_164 : memref<!tpu.dma_semaphore, #tpu.memory_space<semaphore_mem>>)
      %add3A_171 = arith.constant 2 : i32
      %add3A_172 = arith.addi %add3A_77, %add3A_171 : i32
      %ge3A_173 = arith.constant 1 : i32
      %ge3A_174 = arith.cmpi sge, %add3A_172, %ge3A_173 : i32
      %convert_element_type3A_175 = arith.extui %ge3A_174 : i1 to i32
      %cond3A_176 = arith.constant 0 : i32
      %cond3A_177 = arith.cmpi ne, %convert_element_type3A_175, %cond3A_176 : i32
      scf.if %cond3A_177 {
        %dma_wait3A_318 = arith.constant 1 : i32
        %dma_wait3A_319 = arith.constant 1 : i32
        %dma_wait3A_320 = arith.constant 0 : i32
        %dma_wait3A_321 = arith.constant 0 : i32
        %dma_wait3A_322 = tpu.memref_slice %arg6[%dma_wait3A_318, %dma_wait3A_320, %dma_wait3A_321] : memref<5x256x64xf32, #tpu.memory_space<vmem>> -> memref<1x256x64xf32, #tpu.memory_space<vmem>>
        %dma_wait3A_323 = tpu.memref_squeeze %dma_wait3A_322 : memref<1x256x64xf32, #tpu.memory_space<vmem>> -> memref<256x64xf32, #tpu.memory_space<vmem>>
        %dma_wait3A_324 = arith.constant 0 : i32
        %dma_wait3A_325 = tpu.memref_slice %arg4[%mul3A_2, %dma_wait3A_324] : memref<204800x64xf32, #tpu.memory_space<hbm>> -> memref<256x64xf32, #tpu.memory_space<hbm>>
        %dma_wait3A_326 = tpu.memref_slice %arg8[%dma_wait3A_319] : memref<5x!tpu.dma_semaphore, #tpu.memory_space<semaphore_mem>> -> memref<1x!tpu.dma_semaphore, #tpu.memory_space<semaphore_mem>>
        %dma_wait3A_327 = tpu.memref_squeeze %dma_wait3A_326 : memref<1x!tpu.dma_semaphore, #tpu.memory_space<semaphore_mem>> -> memref<!tpu.dma_semaphore, #tpu.memory_space<semaphore_mem>>
        %dma_wait3A_328 = arith.constant 0 : i32
        %dma_wait3A_329 = tpu.memref_slice %arg4[%mul3A_2, %dma_wait3A_328] : memref<204800x64xf32, #tpu.memory_space<hbm>> -> memref<256x64xf32, #tpu.memory_space<hbm>>
        %dma_wait3A_330 = arith.constant 0 : i32
        %dma_wait3A_331 = arith.constant 0 : i32
        %dma_wait3A_332 = tpu.memref_slice %arg6[%dma_wait3A_318, %dma_wait3A_330, %dma_wait3A_331] : memref<5x256x64xf32, #tpu.memory_space<vmem>> -> memref<1x256x64xf32, #tpu.memory_space<vmem>>
        %dma_wait3A_333 = tpu.memref_squeeze %dma_wait3A_332 : memref<1x256x64xf32, #tpu.memory_space<vmem>> -> memref<256x64xf32, #tpu.memory_space<vmem>>
        tpu.wait_dma2 semaphore(%dma_wait3A_327 : memref<!tpu.dma_semaphore, #tpu.memory_space<semaphore_mem>>) src(%dma_wait3A_333 : memref<256x64xf32, #tpu.memory_space<vmem>>) dst(%dma_wait3A_329 : memref<256x64xf32, #tpu.memory_space<hbm>>)
      } else {
      }
      %add3A_178 = arith.constant 5 : i32
      %add3A_179 = arith.addi %add3A_172, %add3A_178 : i32
      %sub3A_180 = arith.constant 1 : i32
      %sub3A_181 = arith.subi %add3A_179, %sub3A_180 : i32
      %lt3A_182 = arith.constant 25 : i32
      %lt3A_183 = arith.cmpi slt, %sub3A_181, %lt3A_182 : i32
      %convert_element_type3A_184 = arith.extui %lt3A_183 : i1 to i32
      %cond3A_185 = arith.constant 0 : i32
      %cond3A_186 = arith.cmpi ne, %convert_element_type3A_184, %cond3A_185 : i32
      scf.if %cond3A_186 {
        %add3A_318 = arith.constant 5 : i32
        %add3A_319 = arith.addi %add3A_172, %add3A_318 : i32
        %sub3A_320 = arith.constant 1 : i32
        %sub3A_321 = arith.subi %add3A_319, %sub3A_320 : i32
        %mul3A_322 = arith.constant 256 : i32
        %mul3A_323 = arith.muli %sub3A_321, %mul3A_322 : i32
        %dma_start3A_324 = arith.constant 1 : i32
        %dma_start3A_325 = arith.constant 1 : i32
        %dma_start3A_326 = arith.constant 0 : i32
        %dma_start3A_327 = arith.constant 0 : i32
        %dma_start3A_328 = tpu.memref_slice %arg6[%dma_start3A_324, %dma_start3A_326, %dma_start3A_327] : memref<5x256x64xf32, #tpu.memory_space<vmem>> -> memref<1x256x64xf32, #tpu.memory_space<vmem>>
        %dma_start3A_329 = tpu.memref_squeeze %dma_start3A_328 : memref<1x256x64xf32, #tpu.memory_space<vmem>> -> memref<256x64xf32, #tpu.memory_space<vmem>>
        %dma_start3A_330 = tpu.memref_slice %arg5[%mul3A_323] : memref<6400xi32, #tpu.memory_space<vmem>> -> memref<256xi32, #tpu.memory_space<vmem>>
        %dma_start3A_331 = arith.constant 0 : i32
        %dma_start3A_332 = arith.constant 0 : i32
        %dma_start3A_333 = tpu.memref_slice %arg3[%dma_start3A_331, %dma_start3A_332] : memref<1000000x64xf32, #tpu.memory_space<hbm>> -> memref<1000000x64xf32, #tpu.memory_space<hbm>>
        %dma_start3A_334 = tpu.memref_slice %arg7[%dma_start3A_325] : memref<5x!tpu.dma_semaphore, #tpu.memory_space<semaphore_mem>> -> memref<1x!tpu.dma_semaphore, #tpu.memory_space<semaphore_mem>>
        %dma_start3A_335 = tpu.memref_squeeze %dma_start3A_334 : memref<1x!tpu.dma_semaphore, #tpu.memory_space<semaphore_mem>> -> memref<!tpu.dma_semaphore, #tpu.memory_space<semaphore_mem>>
        tpu.enqueue_indirect_dma source(%dma_start3A_333 : memref<1000000x64xf32, #tpu.memory_space<hbm>>) target(%dma_start3A_329 : memref<256x64xf32, #tpu.memory_space<vmem>>) offsets(%dma_start3A_330 : memref<256xi32, #tpu.memory_space<vmem>>) semaphore(%dma_start3A_335 : memref<!tpu.dma_semaphore, #tpu.memory_space<semaphore_mem>>)
      } else {
      }
      %mul3A_187 = arith.constant 256 : i32
      %mul3A_188 = arith.muli %add3A_172, %mul3A_187 : i32
      %dma_wait3A_189 = arith.constant 2 : i32
      %dma_wait3A_190 = arith.constant 2 : i32
      %dma_wait3A_191 = arith.constant 0 : i32
      %dma_wait3A_192 = arith.constant 0 : i32
      %dma_wait3A_193 = tpu.memref_slice %arg6[%dma_wait3A_189, %dma_wait3A_191, %dma_wait3A_192] : memref<5x256x64xf32, #tpu.memory_space<vmem>> -> memref<1x256x64xf32, #tpu.memory_space<vmem>>
      %dma_wait3A_194 = tpu.memref_squeeze %dma_wait3A_193 : memref<1x256x64xf32, #tpu.memory_space<vmem>> -> memref<256x64xf32, #tpu.memory_space<vmem>>
      %dma_wait3A_195 = tpu.memref_slice %arg5[%mul3A_188] : memref<6400xi32, #tpu.memory_space<vmem>> -> memref<256xi32, #tpu.memory_space<vmem>>
      %dma_wait3A_196 = arith.constant 0 : i32
      %dma_wait3A_197 = arith.constant 0 : i32
      %dma_wait3A_198 = tpu.memref_slice %arg3[%dma_wait3A_196, %dma_wait3A_197] : memref<1000000x64xf32, #tpu.memory_space<hbm>> -> memref<1000000x64xf32, #tpu.memory_space<hbm>>
      %dma_wait3A_199 = tpu.memref_slice %arg7[%dma_wait3A_190] : memref<5x!tpu.dma_semaphore, #tpu.memory_space<semaphore_mem>> -> memref<1x!tpu.dma_semaphore, #tpu.memory_space<semaphore_mem>>
      %dma_wait3A_200 = tpu.memref_squeeze %dma_wait3A_199 : memref<1x!tpu.dma_semaphore, #tpu.memory_space<semaphore_mem>> -> memref<!tpu.dma_semaphore, #tpu.memory_space<semaphore_mem>>
      tpu.wait_indirect_dma semaphore(%dma_wait3A_200 : memref<!tpu.dma_semaphore, #tpu.memory_space<semaphore_mem>>) src(%dma_wait3A_198 : memref<1000000x64xf32, #tpu.memory_space<hbm>>) dst(%dma_wait3A_194 : memref<256x64xf32, #tpu.memory_space<vmem>>)
      %mul3A_201 = arith.constant 256 : i32
      %mul3A_202 = arith.muli %add3A_172, %mul3A_201 : i32
      %add3A_203 = arith.addi %mul3A_2, %mul3A_202 : i32
      %dma_start3A_204 = arith.constant 2 : i32
      %dma_start3A_205 = arith.constant 2 : i32
      %dma_start3A_206 = arith.constant 0 : i32
      %dma_start3A_207 = arith.constant 0 : i32
      %dma_start3A_208 = tpu.memref_slice %arg6[%dma_start3A_204, %dma_start3A_206, %dma_start3A_207] : memref<5x256x64xf32, #tpu.memory_space<vmem>> -> memref<1x256x64xf32, #tpu.memory_space<vmem>>
      %dma_start3A_209 = tpu.memref_squeeze %dma_start3A_208 : memref<1x256x64xf32, #tpu.memory_space<vmem>> -> memref<256x64xf32, #tpu.memory_space<vmem>>
      %dma_start3A_210 = arith.constant 0 : i32
      %dma_start3A_211 = tpu.memref_slice %arg4[%add3A_203, %dma_start3A_210] : memref<204800x64xf32, #tpu.memory_space<hbm>> -> memref<256x64xf32, #tpu.memory_space<hbm>>
      %dma_start3A_212 = tpu.memref_slice %arg8[%dma_start3A_205] : memref<5x!tpu.dma_semaphore, #tpu.memory_space<semaphore_mem>> -> memref<1x!tpu.dma_semaphore, #tpu.memory_space<semaphore_mem>>
      %dma_start3A_213 = tpu.memref_squeeze %dma_start3A_212 : memref<1x!tpu.dma_semaphore, #tpu.memory_space<semaphore_mem>> -> memref<!tpu.dma_semaphore, #tpu.memory_space<semaphore_mem>>
      %dma_start3A_214 = arith.constant 0 : i32
      %dma_start3A_215 = tpu.memref_slice %arg4[%add3A_203, %dma_start3A_214] : memref<204800x64xf32, #tpu.memory_space<hbm>> -> memref<256x64xf32, #tpu.memory_space<hbm>>
      %dma_start3A_216 = arith.constant 0 : i32
      %dma_start3A_217 = arith.constant 0 : i32
      %dma_start3A_218 = tpu.memref_slice %arg6[%dma_start3A_204, %dma_start3A_216, %dma_start3A_217] : memref<5x256x64xf32, #tpu.memory_space<vmem>> -> memref<1x256x64xf32, #tpu.memory_space<vmem>>
      %dma_start3A_219 = tpu.memref_squeeze %dma_start3A_218 : memref<1x256x64xf32, #tpu.memory_space<vmem>> -> memref<256x64xf32, #tpu.memory_space<vmem>>
      tpu.enqueue_dma source(%dma_start3A_219 : memref<256x64xf32, #tpu.memory_space<vmem>>) target(%dma_start3A_215 : memref<256x64xf32, #tpu.memory_space<hbm>>) target_semaphore(%dma_start3A_213 : memref<!tpu.dma_semaphore, #tpu.memory_space<semaphore_mem>>)
      %add3A_220 = arith.constant 3 : i32
      %add3A_221 = arith.addi %add3A_77, %add3A_220 : i32
      %ge3A_222 = arith.constant 1 : i32
      %ge3A_223 = arith.cmpi sge, %add3A_221, %ge3A_222 : i32
      %convert_element_type3A_224 = arith.extui %ge3A_223 : i1 to i32
      %cond3A_225 = arith.constant 0 : i32
      %cond3A_226 = arith.cmpi ne, %convert_element_type3A_224, %cond3A_225 : i32
      scf.if %cond3A_226 {
        %dma_wait3A_318 = arith.constant 2 : i32
        %dma_wait3A_319 = arith.constant 2 : i32
        %dma_wait3A_320 = arith.constant 0 : i32
        %dma_wait3A_321 = arith.constant 0 : i32
        %dma_wait3A_322 = tpu.memref_slice %arg6[%dma_wait3A_318, %dma_wait3A_320, %dma_wait3A_321] : memref<5x256x64xf32, #tpu.memory_space<vmem>> -> memref<1x256x64xf32, #tpu.memory_space<vmem>>
        %dma_wait3A_323 = tpu.memref_squeeze %dma_wait3A_322 : memref<1x256x64xf32, #tpu.memory_space<vmem>> -> memref<256x64xf32, #tpu.memory_space<vmem>>
        %dma_wait3A_324 = arith.constant 0 : i32
        %dma_wait3A_325 = tpu.memref_slice %arg4[%mul3A_2, %dma_wait3A_324] : memref<204800x64xf32, #tpu.memory_space<hbm>> -> memref<256x64xf32, #tpu.memory_space<hbm>>
        %dma_wait3A_326 = tpu.memref_slice %arg8[%dma_wait3A_319] : memref<5x!tpu.dma_semaphore, #tpu.memory_space<semaphore_mem>> -> memref<1x!tpu.dma_semaphore, #tpu.memory_space<semaphore_mem>>
        %dma_wait3A_327 = tpu.memref_squeeze %dma_wait3A_326 : memref<1x!tpu.dma_semaphore, #tpu.memory_space<semaphore_mem>> -> memref<!tpu.dma_semaphore, #tpu.memory_space<semaphore_mem>>
        %dma_wait3A_328 = arith.constant 0 : i32
        %dma_wait3A_329 = tpu.memref_slice %arg4[%mul3A_2, %dma_wait3A_328] : memref<204800x64xf32, #tpu.memory_space<hbm>> -> memref<256x64xf32, #tpu.memory_space<hbm>>
        %dma_wait3A_330 = arith.constant 0 : i32
        %dma_wait3A_331 = arith.constant 0 : i32
        %dma_wait3A_332 = tpu.memref_slice %arg6[%dma_wait3A_318, %dma_wait3A_330, %dma_wait3A_331] : memref<5x256x64xf32, #tpu.memory_space<vmem>> -> memref<1x256x64xf32, #tpu.memory_space<vmem>>
        %dma_wait3A_333 = tpu.memref_squeeze %dma_wait3A_332 : memref<1x256x64xf32, #tpu.memory_space<vmem>> -> memref<256x64xf32, #tpu.memory_space<vmem>>
        tpu.wait_dma2 semaphore(%dma_wait3A_327 : memref<!tpu.dma_semaphore, #tpu.memory_space<semaphore_mem>>) src(%dma_wait3A_333 : memref<256x64xf32, #tpu.memory_space<vmem>>) dst(%dma_wait3A_329 : memref<256x64xf32, #tpu.memory_space<hbm>>)
      } else {
      }
      %add3A_227 = arith.constant 5 : i32
      %add3A_228 = arith.addi %add3A_221, %add3A_227 : i32
      %sub3A_229 = arith.constant 1 : i32
      %sub3A_230 = arith.subi %add3A_228, %sub3A_229 : i32
      %lt3A_231 = arith.constant 25 : i32
      %lt3A_232 = arith.cmpi slt, %sub3A_230, %lt3A_231 : i32
      %convert_element_type3A_233 = arith.extui %lt3A_232 : i1 to i32
      %cond3A_234 = arith.constant 0 : i32
      %cond3A_235 = arith.cmpi ne, %convert_element_type3A_233, %cond3A_234 : i32
      scf.if %cond3A_235 {
        %add3A_318 = arith.constant 5 : i32
        %add3A_319 = arith.addi %add3A_221, %add3A_318 : i32
        %sub3A_320 = arith.constant 1 : i32
        %sub3A_321 = arith.subi %add3A_319, %sub3A_320 : i32
        %mul3A_322 = arith.constant 256 : i32
        %mul3A_323 = arith.muli %sub3A_321, %mul3A_322 : i32
        %dma_start3A_324 = arith.constant 2 : i32
        %dma_start3A_325 = arith.constant 2 : i32
        %dma_start3A_326 = arith.constant 0 : i32
        %dma_start3A_327 = arith.constant 0 : i32
        %dma_start3A_328 = tpu.memref_slice %arg6[%dma_start3A_324, %dma_start3A_326, %dma_start3A_327] : memref<5x256x64xf32, #tpu.memory_space<vmem>> -> memref<1x256x64xf32, #tpu.memory_space<vmem>>
        %dma_start3A_329 = tpu.memref_squeeze %dma_start3A_328 : memref<1x256x64xf32, #tpu.memory_space<vmem>> -> memref<256x64xf32, #tpu.memory_space<vmem>>
        %dma_start3A_330 = tpu.memref_slice %arg5[%mul3A_323] : memref<6400xi32, #tpu.memory_space<vmem>> -> memref<256xi32, #tpu.memory_space<vmem>>
        %dma_start3A_331 = arith.constant 0 : i32
        %dma_start3A_332 = arith.constant 0 : i32
        %dma_start3A_333 = tpu.memref_slice %arg3[%dma_start3A_331, %dma_start3A_332] : memref<1000000x64xf32, #tpu.memory_space<hbm>> -> memref<1000000x64xf32, #tpu.memory_space<hbm>>
        %dma_start3A_334 = tpu.memref_slice %arg7[%dma_start3A_325] : memref<5x!tpu.dma_semaphore, #tpu.memory_space<semaphore_mem>> -> memref<1x!tpu.dma_semaphore, #tpu.memory_space<semaphore_mem>>
        %dma_start3A_335 = tpu.memref_squeeze %dma_start3A_334 : memref<1x!tpu.dma_semaphore, #tpu.memory_space<semaphore_mem>> -> memref<!tpu.dma_semaphore, #tpu.memory_space<semaphore_mem>>
        tpu.enqueue_indirect_dma source(%dma_start3A_333 : memref<1000000x64xf32, #tpu.memory_space<hbm>>) target(%dma_start3A_329 : memref<256x64xf32, #tpu.memory_space<vmem>>) offsets(%dma_start3A_330 : memref<256xi32, #tpu.memory_space<vmem>>) semaphore(%dma_start3A_335 : memref<!tpu.dma_semaphore, #tpu.memory_space<semaphore_mem>>)
      } else {
      }
      %mul3A_236 = arith.constant 256 : i32
      %mul3A_237 = arith.muli %add3A_221, %mul3A_236 : i32
      %dma_wait3A_238 = arith.constant 3 : i32
      %dma_wait3A_239 = arith.constant 3 : i32
      %dma_wait3A_240 = arith.constant 0 : i32
      %dma_wait3A_241 = arith.constant 0 : i32
      %dma_wait3A_242 = tpu.memref_slice %arg6[%dma_wait3A_238, %dma_wait3A_240, %dma_wait3A_241] : memref<5x256x64xf32, #tpu.memory_space<vmem>> -> memref<1x256x64xf32, #tpu.memory_space<vmem>>
      %dma_wait3A_243 = tpu.memref_squeeze %dma_wait3A_242 : memref<1x256x64xf32, #tpu.memory_space<vmem>> -> memref<256x64xf32, #tpu.memory_space<vmem>>
      %dma_wait3A_244 = tpu.memref_slice %arg5[%mul3A_237] : memref<6400xi32, #tpu.memory_space<vmem>> -> memref<256xi32, #tpu.memory_space<vmem>>
      %dma_wait3A_245 = arith.constant 0 : i32
      %dma_wait3A_246 = arith.constant 0 : i32
      %dma_wait3A_247 = tpu.memref_slice %arg3[%dma_wait3A_245, %dma_wait3A_246] : memref<1000000x64xf32, #tpu.memory_space<hbm>> -> memref<1000000x64xf32, #tpu.memory_space<hbm>>
      %dma_wait3A_248 = tpu.memref_slice %arg7[%dma_wait3A_239] : memref<5x!tpu.dma_semaphore, #tpu.memory_space<semaphore_mem>> -> memref<1x!tpu.dma_semaphore, #tpu.memory_space<semaphore_mem>>
      %dma_wait3A_249 = tpu.memref_squeeze %dma_wait3A_248 : memref<1x!tpu.dma_semaphore, #tpu.memory_space<semaphore_mem>> -> memref<!tpu.dma_semaphore, #tpu.memory_space<semaphore_mem>>
      tpu.wait_indirect_dma semaphore(%dma_wait3A_249 : memref<!tpu.dma_semaphore, #tpu.memory_space<semaphore_mem>>) src(%dma_wait3A_247 : memref<1000000x64xf32, #tpu.memory_space<hbm>>) dst(%dma_wait3A_243 : memref<256x64xf32, #tpu.memory_space<vmem>>)
      %mul3A_250 = arith.constant 256 : i32
      %mul3A_251 = arith.muli %add3A_221, %mul3A_250 : i32
      %add3A_252 = arith.addi %mul3A_2, %mul3A_251 : i32
      %dma_start3A_253 = arith.constant 3 : i32
      %dma_start3A_254 = arith.constant 3 : i32
      %dma_start3A_255 = arith.constant 0 : i32
      %dma_start3A_256 = arith.constant 0 : i32
      %dma_start3A_257 = tpu.memref_slice %arg6[%dma_start3A_253, %dma_start3A_255, %dma_start3A_256] : memref<5x256x64xf32, #tpu.memory_space<vmem>> -> memref<1x256x64xf32, #tpu.memory_space<vmem>>
      %dma_start3A_258 = tpu.memref_squeeze %dma_start3A_257 : memref<1x256x64xf32, #tpu.memory_space<vmem>> -> memref<256x64xf32, #tpu.memory_space<vmem>>
      %dma_start3A_259 = arith.constant 0 : i32
      %dma_start3A_260 = tpu.memref_slice %arg4[%add3A_252, %dma_start3A_259] : memref<204800x64xf32, #tpu.memory_space<hbm>> -> memref<256x64xf32, #tpu.memory_space<hbm>>
      %dma_start3A_261 = tpu.memref_slice %arg8[%dma_start3A_254] : memref<5x!tpu.dma_semaphore, #tpu.memory_space<semaphore_mem>> -> memref<1x!tpu.dma_semaphore, #tpu.memory_space<semaphore_mem>>
      %dma_start3A_262 = tpu.memref_squeeze %dma_start3A_261 : memref<1x!tpu.dma_semaphore, #tpu.memory_space<semaphore_mem>> -> memref<!tpu.dma_semaphore, #tpu.memory_space<semaphore_mem>>
      %dma_start3A_263 = arith.constant 0 : i32
      %dma_start3A_264 = tpu.memref_slice %arg4[%add3A_252, %dma_start3A_263] : memref<204800x64xf32, #tpu.memory_space<hbm>> -> memref<256x64xf32, #tpu.memory_space<hbm>>
      %dma_start3A_265 = arith.constant 0 : i32
      %dma_start3A_266 = arith.constant 0 : i32
      %dma_start3A_267 = tpu.memref_slice %arg6[%dma_start3A_253, %dma_start3A_265, %dma_start3A_266] : memref<5x256x64xf32, #tpu.memory_space<vmem>> -> memref<1x256x64xf32, #tpu.memory_space<vmem>>
      %dma_start3A_268 = tpu.memref_squeeze %dma_start3A_267 : memref<1x256x64xf32, #tpu.memory_space<vmem>> -> memref<256x64xf32, #tpu.memory_space<vmem>>
      tpu.enqueue_dma source(%dma_start3A_268 : memref<256x64xf32, #tpu.memory_space<vmem>>) target(%dma_start3A_264 : memref<256x64xf32, #tpu.memory_space<hbm>>) target_semaphore(%dma_start3A_262 : memref<!tpu.dma_semaphore, #tpu.memory_space<semaphore_mem>>)
      %add3A_269 = arith.constant 4 : i32
      %add3A_270 = arith.addi %add3A_77, %add3A_269 : i32
      %ge3A_271 = arith.constant 1 : i32
      %ge3A_272 = arith.cmpi sge, %add3A_270, %ge3A_271 : i32
      %convert_element_type3A_273 = arith.extui %ge3A_272 : i1 to i32
      %cond3A_274 = arith.constant 0 : i32
      %cond3A_275 = arith.cmpi ne, %convert_element_type3A_273, %cond3A_274 : i32
      scf.if %cond3A_275 {
        %dma_wait3A_318 = arith.constant 3 : i32
        %dma_wait3A_319 = arith.constant 3 : i32
        %dma_wait3A_320 = arith.constant 0 : i32
        %dma_wait3A_321 = arith.constant 0 : i32
        %dma_wait3A_322 = tpu.memref_slice %arg6[%dma_wait3A_318, %dma_wait3A_320, %dma_wait3A_321] : memref<5x256x64xf32, #tpu.memory_space<vmem>> -> memref<1x256x64xf32, #tpu.memory_space<vmem>>
        %dma_wait3A_323 = tpu.memref_squeeze %dma_wait3A_322 : memref<1x256x64xf32, #tpu.memory_space<vmem>> -> memref<256x64xf32, #tpu.memory_space<vmem>>
        %dma_wait3A_324 = arith.constant 0 : i32
        %dma_wait3A_325 = tpu.memref_slice %arg4[%mul3A_2, %dma_wait3A_324] : memref<204800x64xf32, #tpu.memory_space<hbm>> -> memref<256x64xf32, #tpu.memory_space<hbm>>
        %dma_wait3A_326 = tpu.memref_slice %arg8[%dma_wait3A_319] : memref<5x!tpu.dma_semaphore, #tpu.memory_space<semaphore_mem>> -> memref<1x!tpu.dma_semaphore, #tpu.memory_space<semaphore_mem>>
        %dma_wait3A_327 = tpu.memref_squeeze %dma_wait3A_326 : memref<1x!tpu.dma_semaphore, #tpu.memory_space<semaphore_mem>> -> memref<!tpu.dma_semaphore, #tpu.memory_space<semaphore_mem>>
        %dma_wait3A_328 = arith.constant 0 : i32
        %dma_wait3A_329 = tpu.memref_slice %arg4[%mul3A_2, %dma_wait3A_328] : memref<204800x64xf32, #tpu.memory_space<hbm>> -> memref<256x64xf32, #tpu.memory_space<hbm>>
        %dma_wait3A_330 = arith.constant 0 : i32
        %dma_wait3A_331 = arith.constant 0 : i32
        %dma_wait3A_332 = tpu.memref_slice %arg6[%dma_wait3A_318, %dma_wait3A_330, %dma_wait3A_331] : memref<5x256x64xf32, #tpu.memory_space<vmem>> -> memref<1x256x64xf32, #tpu.memory_space<vmem>>
        %dma_wait3A_333 = tpu.memref_squeeze %dma_wait3A_332 : memref<1x256x64xf32, #tpu.memory_space<vmem>> -> memref<256x64xf32, #tpu.memory_space<vmem>>
        tpu.wait_dma2 semaphore(%dma_wait3A_327 : memref<!tpu.dma_semaphore, #tpu.memory_space<semaphore_mem>>) src(%dma_wait3A_333 : memref<256x64xf32, #tpu.memory_space<vmem>>) dst(%dma_wait3A_329 : memref<256x64xf32, #tpu.memory_space<hbm>>)
      } else {
      }
      %add3A_276 = arith.constant 5 : i32
      %add3A_277 = arith.addi %add3A_270, %add3A_276 : i32
      %sub3A_278 = arith.constant 1 : i32
      %sub3A_279 = arith.subi %add3A_277, %sub3A_278 : i32
      %lt3A_280 = arith.constant 25 : i32
      %lt3A_281 = arith.cmpi slt, %sub3A_279, %lt3A_280 : i32
      %convert_element_type3A_282 = arith.extui %lt3A_281 : i1 to i32
      %cond3A_283 = arith.constant 0 : i32
      %cond3A_284 = arith.cmpi ne, %convert_element_type3A_282, %cond3A_283 : i32
      scf.if %cond3A_284 {
        %add3A_318 = arith.constant 5 : i32
        %add3A_319 = arith.addi %add3A_270, %add3A_318 : i32
        %sub3A_320 = arith.constant 1 : i32
        %sub3A_321 = arith.subi %add3A_319, %sub3A_320 : i32
        %mul3A_322 = arith.constant 256 : i32
        %mul3A_323 = arith.muli %sub3A_321, %mul3A_322 : i32
        %dma_start3A_324 = arith.constant 3 : i32
        %dma_start3A_325 = arith.constant 3 : i32
        %dma_start3A_326 = arith.constant 0 : i32
        %dma_start3A_327 = arith.constant 0 : i32
        %dma_start3A_328 = tpu.memref_slice %arg6[%dma_start3A_324, %dma_start3A_326, %dma_start3A_327] : memref<5x256x64xf32, #tpu.memory_space<vmem>> -> memref<1x256x64xf32, #tpu.memory_space<vmem>>
        %dma_start3A_329 = tpu.memref_squeeze %dma_start3A_328 : memref<1x256x64xf32, #tpu.memory_space<vmem>> -> memref<256x64xf32, #tpu.memory_space<vmem>>
        %dma_start3A_330 = tpu.memref_slice %arg5[%mul3A_323] : memref<6400xi32, #tpu.memory_space<vmem>> -> memref<256xi32, #tpu.memory_space<vmem>>
        %dma_start3A_331 = arith.constant 0 : i32
        %dma_start3A_332 = arith.constant 0 : i32
        %dma_start3A_333 = tpu.memref_slice %arg3[%dma_start3A_331, %dma_start3A_332] : memref<1000000x64xf32, #tpu.memory_space<hbm>> -> memref<1000000x64xf32, #tpu.memory_space<hbm>>
        %dma_start3A_334 = tpu.memref_slice %arg7[%dma_start3A_325] : memref<5x!tpu.dma_semaphore, #tpu.memory_space<semaphore_mem>> -> memref<1x!tpu.dma_semaphore, #tpu.memory_space<semaphore_mem>>
        %dma_start3A_335 = tpu.memref_squeeze %dma_start3A_334 : memref<1x!tpu.dma_semaphore, #tpu.memory_space<semaphore_mem>> -> memref<!tpu.dma_semaphore, #tpu.memory_space<semaphore_mem>>
        tpu.enqueue_indirect_dma source(%dma_start3A_333 : memref<1000000x64xf32, #tpu.memory_space<hbm>>) target(%dma_start3A_329 : memref<256x64xf32, #tpu.memory_space<vmem>>) offsets(%dma_start3A_330 : memref<256xi32, #tpu.memory_space<vmem>>) semaphore(%dma_start3A_335 : memref<!tpu.dma_semaphore, #tpu.memory_space<semaphore_mem>>)
      } else {
      }
      %mul3A_285 = arith.constant 256 : i32
      %mul3A_286 = arith.muli %add3A_270, %mul3A_285 : i32
      %dma_wait3A_287 = arith.constant 4 : i32
      %dma_wait3A_288 = arith.constant 4 : i32
      %dma_wait3A_289 = arith.constant 0 : i32
      %dma_wait3A_290 = arith.constant 0 : i32
      %dma_wait3A_291 = tpu.memref_slice %arg6[%dma_wait3A_287, %dma_wait3A_289, %dma_wait3A_290] : memref<5x256x64xf32, #tpu.memory_space<vmem>> -> memref<1x256x64xf32, #tpu.memory_space<vmem>>
      %dma_wait3A_292 = tpu.memref_squeeze %dma_wait3A_291 : memref<1x256x64xf32, #tpu.memory_space<vmem>> -> memref<256x64xf32, #tpu.memory_space<vmem>>
      %dma_wait3A_293 = tpu.memref_slice %arg5[%mul3A_286] : memref<6400xi32, #tpu.memory_space<vmem>> -> memref<256xi32, #tpu.memory_space<vmem>>
      %dma_wait3A_294 = arith.constant 0 : i32
      %dma_wait3A_295 = arith.constant 0 : i32
      %dma_wait3A_296 = tpu.memref_slice %arg3[%dma_wait3A_294, %dma_wait3A_295] : memref<1000000x64xf32, #tpu.memory_space<hbm>> -> memref<1000000x64xf32, #tpu.memory_space<hbm>>
      %dma_wait3A_297 = tpu.memref_slice %arg7[%dma_wait3A_288] : memref<5x!tpu.dma_semaphore, #tpu.memory_space<semaphore_mem>> -> memref<1x!tpu.dma_semaphore, #tpu.memory_space<semaphore_mem>>
      %dma_wait3A_298 = tpu.memref_squeeze %dma_wait3A_297 : memref<1x!tpu.dma_semaphore, #tpu.memory_space<semaphore_mem>> -> memref<!tpu.dma_semaphore, #tpu.memory_space<semaphore_mem>>
      tpu.wait_indirect_dma semaphore(%dma_wait3A_298 : memref<!tpu.dma_semaphore, #tpu.memory_space<semaphore_mem>>) src(%dma_wait3A_296 : memref<1000000x64xf32, #tpu.memory_space<hbm>>) dst(%dma_wait3A_292 : memref<256x64xf32, #tpu.memory_space<vmem>>)
      %mul3A_299 = arith.constant 256 : i32
      %mul3A_300 = arith.muli %add3A_270, %mul3A_299 : i32
      %add3A_301 = arith.addi %mul3A_2, %mul3A_300 : i32
      %dma_start3A_302 = arith.constant 4 : i32
      %dma_start3A_303 = arith.constant 4 : i32
      %dma_start3A_304 = arith.constant 0 : i32
      %dma_start3A_305 = arith.constant 0 : i32
      %dma_start3A_306 = tpu.memref_slice %arg6[%dma_start3A_302, %dma_start3A_304, %dma_start3A_305] : memref<5x256x64xf32, #tpu.memory_space<vmem>> -> memref<1x256x64xf32, #tpu.memory_space<vmem>>
      %dma_start3A_307 = tpu.memref_squeeze %dma_start3A_306 : memref<1x256x64xf32, #tpu.memory_space<vmem>> -> memref<256x64xf32, #tpu.memory_space<vmem>>
      %dma_start3A_308 = arith.constant 0 : i32
      %dma_start3A_309 = tpu.memref_slice %arg4[%add3A_301, %dma_start3A_308] : memref<204800x64xf32, #tpu.memory_space<hbm>> -> memref<256x64xf32, #tpu.memory_space<hbm>>
      %dma_start3A_310 = tpu.memref_slice %arg8[%dma_start3A_303] : memref<5x!tpu.dma_semaphore, #tpu.memory_space<semaphore_mem>> -> memref<1x!tpu.dma_semaphore, #tpu.memory_space<semaphore_mem>>
      %dma_start3A_311 = tpu.memref_squeeze %dma_start3A_310 : memref<1x!tpu.dma_semaphore, #tpu.memory_space<semaphore_mem>> -> memref<!tpu.dma_semaphore, #tpu.memory_space<semaphore_mem>>
      %dma_start3A_312 = arith.constant 0 : i32
      %dma_start3A_313 = tpu.memref_slice %arg4[%add3A_301, %dma_start3A_312] : memref<204800x64xf32, #tpu.memory_space<hbm>> -> memref<256x64xf32, #tpu.memory_space<hbm>>
      %dma_start3A_314 = arith.constant 0 : i32
      %dma_start3A_315 = arith.constant 0 : i32
      %dma_start3A_316 = tpu.memref_slice %arg6[%dma_start3A_302, %dma_start3A_314, %dma_start3A_315] : memref<5x256x64xf32, #tpu.memory_space<vmem>> -> memref<1x256x64xf32, #tpu.memory_space<vmem>>
      %dma_start3A_317 = tpu.memref_squeeze %dma_start3A_316 : memref<1x256x64xf32, #tpu.memory_space<vmem>> -> memref<256x64xf32, #tpu.memory_space<vmem>>
      tpu.enqueue_dma source(%dma_start3A_317 : memref<256x64xf32, #tpu.memory_space<vmem>>) target(%dma_start3A_313 : memref<256x64xf32, #tpu.memory_space<hbm>>) target_semaphore(%dma_start3A_311 : memref<!tpu.dma_semaphore, #tpu.memory_space<semaphore_mem>>)
    }
    %scan3A_57 = arith.constant 5 : i32
    %dma_wait3A = arith.constant 4 : i32
    %dma_wait3A_58 = arith.constant 4 : i32
    %dma_wait3A_59 = arith.constant 0 : i32
    %dma_wait3A_60 = arith.constant 0 : i32
    %dma_wait3A_61 = tpu.memref_slice %arg6[%dma_wait3A, %dma_wait3A_59, %dma_wait3A_60] : memref<5x256x64xf32, #tpu.memory_space<vmem>> -> memref<1x256x64xf32, #tpu.memory_space<vmem>>
    %dma_wait3A_62 = tpu.memref_squeeze %dma_wait3A_61 : memref<1x256x64xf32, #tpu.memory_space<vmem>> -> memref<256x64xf32, #tpu.memory_space<vmem>>
    %dma_wait3A_63 = arith.constant 0 : i32
    %dma_wait3A_64 = tpu.memref_slice %arg4[%mul3A_2, %dma_wait3A_63] : memref<204800x64xf32, #tpu.memory_space<hbm>> -> memref<256x64xf32, #tpu.memory_space<hbm>>
    %dma_wait3A_65 = tpu.memref_slice %arg8[%dma_wait3A_58] : memref<5x!tpu.dma_semaphore, #tpu.memory_space<semaphore_mem>> -> memref<1x!tpu.dma_semaphore, #tpu.memory_space<semaphore_mem>>
    %dma_wait3A_66 = tpu.memref_squeeze %dma_wait3A_65 : memref<1x!tpu.dma_semaphore, #tpu.memory_space<semaphore_mem>> -> memref<!tpu.dma_semaphore, #tpu.memory_space<semaphore_mem>>
    %dma_wait3A_67 = arith.constant 0 : i32
    %dma_wait3A_68 = tpu.memref_slice %arg4[%mul3A_2, %dma_wait3A_67] : memref<204800x64xf32, #tpu.memory_space<hbm>> -> memref<256x64xf32, #tpu.memory_space<hbm>>
    %dma_wait3A_69 = arith.constant 0 : i32
    %dma_wait3A_70 = arith.constant 0 : i32
    %dma_wait3A_71 = tpu.memref_slice %arg6[%dma_wait3A, %dma_wait3A_69, %dma_wait3A_70] : memref<5x256x64xf32, #tpu.memory_space<vmem>> -> memref<1x256x64xf32, #tpu.memory_space<vmem>>
    %dma_wait3A_72 = tpu.memref_squeeze %dma_wait3A_71 : memref<1x256x64xf32, #tpu.memory_space<vmem>> -> memref<256x64xf32, #tpu.memory_space<vmem>>
    tpu.wait_dma2 semaphore(%dma_wait3A_66 : memref<!tpu.dma_semaphore, #tpu.memory_space<semaphore_mem>>) src(%dma_wait3A_72 : memref<256x64xf32, #tpu.memory_space<vmem>>) dst(%dma_wait3A_68 : memref<256x64xf32, #tpu.memory_space<hbm>>)
    return
  }
}

</mosaic_0001>

<sc_bundles>
// kernel: _sc_gather.3.cloned.1.call-start
scs
__scs_entry_jumppad:
0x0: {  	(pc) =	sbr.rel $0x88, $3  }
0x1: {  	(tag) =	ssettag $0x0;
	lr =	simm.s32 $0x1  }
0x2: {  	[smem:$0x3F9F] =	sst lr;
	_ =	strace $0xD0000000  }
0x3: {  	_ = 	snop  }
0x4: {  	_ = 	snop  }
0x5: {  	_ = 	snop  }
0x6: {  	_ = 	snop  }
0x7: {  	_ = 	snop  }
__scs_overlays_trampoline_lowered:
0x8: {  	[smem:$0x3FAE] =	sst s0  }
0x9: {  	[smem:$0x3FAF] =	sst s1  }
0xa: {  	[smem:$0x3FB0] =	sst s2  }
0xb: {  	[smem:$0x3FB1] =	sst s3  }
0xc: {  	[smem:$0x3FB2] =	sst s4  }
0xd: {  	[smem:$0x3FB3] =	sst s5  }
0xe: {  	[smem:$0x3FB4] =	sst s6  }
0xf: {  	[smem:$0x3FB5] =	sst s7  }
0x10: {  	[smem:$0x3FB6] =	sst s8  }
0x11: {  	[smem:$0x3FB7] =	sst s9;
	s0 =	simm.s32 @!p0 $0x0  }
0x12: {  	s1 =	sld [smem:$0x3F9D];
	s0 =	simm.s32 @p0 $0x1  }
0x13: {  	[smem:$0x3FB8] =	sst s0;
	s0 =	simm.s32 @!p1 $0x0  }
0x14: {  	s2 =	sld [smem:$0x3F9C];
	s0 =	simm.s32 @p1 $0x1  }
0x15: {  	[smem:$0x3FB9] =	sst s0;
	s0 =	simm.s32 @!p2 $0x0  }
0x16: {  	s3 =	sld [smem:$0x3FDB];
	s0 =	simm.s32 @p2 $0x1  }
0x17: {  	s4 =	simm.s32 $0x1BF5;
	[smem:$0x3FBB] =	sst s0  }
0x18: {  	s0 =	sld [smem:$0x3F9E];
	_ =	swait.ge [sflag:s4], $0x0  }
0x19: {  	s7 =	sld [smem:$0x3F9F]  }
0x1a: {  	s8 =	sadd.s32 $0xFFFFE003, lr  }
0x1b: {  	s9 =	sadd.s32 $0xFFFFFEF7, lr;
	s5 =	simm.s32 $0xFFFFFFFF;
	p2 =	slt.u32 s8, $0xFFFFF086  }
0x1c: {  	p1 =	slt.u32 s9, $0xF7A;
	s5 =	simm.s32 @!p2 $0x0  }
0x1d: {  	s5 =	simm.s32 @p1 $0x1;
	p0 =	seq.s32 s7, s2  }
0x1e: {  	s7 =	smul.u32 @!p0 $0xF7A, s2;
	p2 =	seq.s32 @!p0 s5, $0x0  }
0x1f: {  	s9 =	smul.u32 $0xF7A, s1;
	s8 =	simm.s32 @!p0 $0x1BF5;
	p2 =	por !p2, p0  }
0x20: {  	[sflag:s8] =	ssyncset.s32 @!p0 $0xFFFFF086;
	s6 =	sadd.s32 @!p0 s3, s7;
	s7 =	simm.s32 @!p0 $0x108  }
0x21: {  	s3 =	sadd.s32 s3, s9;
	s6 =	sadd.s32 @!p0 $0x88, s6;
	s7 =	simm.s32 @p2 $0x1082  }
0x22: {  	[simem:s7], [sflag:s8] =	dma.local @!p0 [hbm:s6], $0xF7A  }
0x23: {  	s9 =	sor.u32 $0xD0000000, s2;
	s6 =	simm.s32 $0x108;
	_ =	swait.ge @!p0 [sflag:s8], $0x0  }
0x24: {  	s3 =	sadd.s32 $0x88, s3;
	s6 =	simm.s32 @!p1 $0x1082;
	[sflag:s4] =	ssyncset.s32 $0xFFFFF086  }
0x25: {  	[simem:s6], [sflag:s4] =	dma.local [hbm:s3], $0xF7A  }
0x26: {  	[smem:$0x3F9F] =	sst s1;
	(tag) =	ssettag s2;
	_ =	strace s9  }
0x27: {  	s1 =	sld [smem:$0x3FAF]  }
0x28: {  	s2 =	sld [smem:$0x3FB0]  }
0x29: {  	s4 =	sld [smem:$0x3FB2]  }
0x2a: {  	p0 =	seq.s32 s5, $0x0;
	s5 =	sld [smem:$0x3FB3]  }
0x2b: {  	s6 =	sld [smem:$0x3FB4]  }
0x2c: {  	s7 =	sld [smem:$0x3FB5]  }
0x2d: {  	s3 =	simm.s32 $0x108;
	s8 =	sld [smem:$0x3FB6]  }
0x2e: {  	s3 =	simm.s32 @!p0 $0x1082;
	s9 =	sld [smem:$0x3FB7]  }
0x2f: {  	lr =	sadd.s32 s0, s3;
	s0 =	sld [smem:$0x3FAE]  }
0x30: {  	s3 =	sld [smem:$0x3FB1]  }
0x31: {  	[smem:$0x3FBA] =	sst s10  }
0x32: {  	s10 =	sld [smem:$0x3FB8];
	_ =	sdelay $0x3  }
0x33: {  	p0 =	seq.s32 s10, $0x1;
	s10 =	sld [smem:$0x3FBA];
	_ =	sdelay $0x3  }
0x34: {  	[smem:$0x3FBA] =	sst s10  }
0x35: {  	s10 =	sld [smem:$0x3FB9];
	_ =	sdelay $0x3  }
0x36: {  	p1 =	seq.s32 s10, $0x1;
	s10 =	sld [smem:$0x3FBA];
	_ =	sdelay $0x3  }
0x37: {  	[smem:$0x3FBA] =	sst s10  }
0x38: {  	s10 =	sld [smem:$0x3FBB]  }
0x39: {  	_ = 	snop;
	(pc) =	sbr.ind lr, $3  }
0x3a: {  	_ = 	snop  }
0x3b: {  	_ = 	snop  }
0x3c: {  	p2 =	seq.s32 s10, $0x1;
	s10 =	sld [smem:$0x3FBA]  }
0x3d: {  	_ =	shalt  }
0x3e: {  	_ =	shalt  }
0x3f: {  	_ =	shalt  }
0x40: {  	_ =	shalt  }
0x41: {  	_ =	shalt  }
0x42: {  	_ =	shalt  }
0x43: {  	_ =	shalt  }
0x44: {  	_ =	shalt  }
0x45: {  	_ =	shalt  }
0x46: {  	_ =	shalt  }
0x47: {  	_ =	shalt  }
0x48: {  	_ =	shalt  }
0x49: {  	_ =	shalt  }
0x4a: {  	_ =	shalt  }
0x4b: {  	_ =	shalt  }
0x4c: {  	_ =	shalt  }
0x4d: {  	_ =	shalt  }
0x4e: {  	_ =	shalt  }
0x4f: {  	_ =	shalt  }
0x50: {  	_ =	shalt  }
0x51: {  	_ =	shalt  }
0x52: {  	_ =	shalt  }
0x53: {  	_ =	shalt  }
0x54: {  	_ =	shalt  }
0x55: {  	_ =	shalt  }
0x56: {  	_ =	shalt  }
0x57: {  	_ =	shalt  }
0x58: {  	_ =	shalt  }
0x59: {  	_ =	shalt  }
0x5a: {  	_ =	shalt  }
0x5b: {  	_ =	shalt  }
0x5c: {  	_ =	shalt  }
0x5d: {  	_ =	shalt  }
0x5e: {  	_ =	shalt  }
0x5f: {  	_ =	shalt  }
0x60: {  	_ =	shalt  }
0x61: {  	_ =	shalt  }
0x62: {  	_ =	shalt  }
0x63: {  	_ =	shalt  }
0x64: {  	_ =	shalt  }
0x65: {  	_ =	shalt  }
0x66: {  	_ =	shalt  }
0x67: {  	_ =	shalt  }
0x68: {  	_ =	shalt  }
0x69: {  	_ =	shalt  }
0x6a: {  	_ =	shalt  }
0x6b: {  	_ =	shalt  }
0x6c: {  	_ =	shalt  }
0x6d: {  	_ =	shalt  }
0x6e: {  	_ =	shalt  }
0x6f: {  	_ =	shalt  }
0x70: {  	_ =	shalt  }
0x71: {  	_ =	shalt  }
0x72: {  	_ =	shalt  }
0x73: {  	_ =	shalt  }
0x74: {  	_ =	shalt  }
0x75: {  	_ =	shalt  }
0x76: {  	_ =	shalt  }
0x77: {  	_ =	shalt  }
0x78: {  	_ =	shalt  }
0x79: {  	_ =	shalt  }
0x7a: {  	_ =	shalt  }
0x7b: {  	_ =	shalt  }
0x7c: {  	_ =	shalt  }
0x7d: {  	_ =	shalt  }
0x7e: {  	_ =	shalt  }
0x7f: {  	_ =	shalt  }
0x80: {  	_ =	shalt  }
0x81: {  	_ =	shalt  }
0x82: {  	_ =	shalt  }
0x83: {  	_ =	shalt  }
0x84: {  	_ =	shalt  }
0x85: {  	_ =	shalt  }
0x86: {  	_ =	shalt  }
0x87: {  	_ =	shalt  }
.Lfunc_end0:
.L_simem_size_0:
called_computation.1_lowered:
.L_overlay_start_0:
0x88: {  	s2 =	sld [smem:$0x3FD9]  }
0x89: {  	s3 =	sld [smem:$0x3FFE];
	_ =	sdelay $0x1  }
0x8a: {  	s1 =	srdreg.scid  }
0x8b: {  	s0 =	sand.u32 $0x1, s1  }
0x8c: {  	s17 =	sshll.u32 s0, $0xA;
	s2 =	sadd.s32 s3, s2  }
0x8d: {  	s2 =	sadd.s32 s2, s17  }
0x8e: {  	[smem:$0x3FC6] =	sst s2  }
0x8f: {  	_ = 	snop  }
0x90: {  	s2 =	sld [smem:$0x3FC9]  }
0x91: {  	s18 =	sld [smem:$0x3FD0];
	(tm) =	ssettm $0x1  }
0x92: {  	s4 =	sld [smem:$0x3FFB];
	_ =	sdelay $0x3  }
0x93: {  	_ =	strace s4  }
0x94: {  	s4 =	sld [smem:$0x3FFC];
	_ =	sdelay $0x3  }
0x95: {  	_ =	strace s4  }
0x96: {  	s4 =	sld [smem:$0x3FFD];
	_ =	sdelay $0x3  }
0x97: {  	_ =	strace s4  }
0x98: {  	_ =	strace $0x8FFFFFFF  }
0x99: {  	s19 =	sld [smem:$0x3FDB];
	_ =	sdelay $0x1  }
0x9a: {  	s5 =	simm.s32 $_scs_section_size  }
0x9b: {  	s6 =	simm.s32 $_size__tile_overlayer_lowered;
	s7 =	simm.s32 $_tile_overlayer_lowered  }
0x9c: {  	s22 =	simm.s32 $0x1BFF;
	s21 =	sshll.u32 s7, $0x1;
	s4 =	sadd.s32 s5, s19  }
0x9d: {  	s8 =	simm.s32 $0x0;
	s20 =	sshll.u32 s6, $0x1;
	s6 =	sadd.s32 s21, s4  }
0x9e: {  	[timem:s8], [sflag:s22] =	dma.local [hbm:s6], s20  }
0x9f: {  	_ =	swait.ge [sflag:s22], s20  }
0xa0: {  	s5 =	ssub.s32 $0x0, s20;
	[sflag:s22] =	ssyncset.done $0x0  }
0xa1: {  	[sflag:s22] =	ssyncadd.s32 s5;
	_ =	sdelay $0x1  }
0xa2: {  	s23 =	simm.s32 $0x1B8B  }
0xa3: {  	_ =	swait.ge [sflag:s23], $0x1  }
0xa4: {  	[sflag:s23] =	ssyncset.done $0x0  }
0xa5: {  	s25 =	simm.s32 $0x1B8E;
	s24 =	sld [smem:$0x3FFE];
	[sflag:s23] =	ssyncadd.s32 $0xFFFFFFFF  }
0xa6: {  	s26 =	simm.s32 $execute0_lowered;
	[smem:$0x3FD2] =	sst s25  }
0xa7: {  	s6 =	sshll.u32 s26, $0x1;
	_ =	strace $0x80000046;
	[dreg:$0x1] =	wrdreg $0xFFFFFFFF  }
0xa8: {  	s28 =	simm.s32 $_size_execute0_lowered;
	s4 =	sadd.s32 s4, s6;
	[dreg:$0x0] =	wrdreg $0x0  }
0xa9: {  	s6 =	sshll.u32 s28, $0x1;
	[dreg:$0x2] =	wrdreg s4  }
0xaa: {  	[dreg:$0x3] =	wrdreg s6  }
0xab: {  	[dreg:$0x4] =	wrdreg $0xC0  }
0xac: {  	_ =	task [dreg:s8], $0x5FFFF  }
0xad: {  	[dreg:$0x1] =	wrdreg $0xFFFFFFFF  }
0xae: {  	[dreg:$0x0] =	wrdreg $0x60  }
0xaf: {  	[dreg:$0x2] =	wrdreg s2  }
0xb0: {  	[dreg:$0x3] =	wrdreg s24  }
0xb1: {  	[dreg:$0x4] =	wrdreg s18  }
0xb2: {  	[dreg:$0x5] =	wrdreg $0x9  }
0xb3: {  	_ =	task.clear_ibuf [dreg:s8], $0x6FFFF;
	_ =	strace $0x90000046  }
0xb4: {  	s29 =	simm.s32 $0x9;
	_ =	strace $0x80000048  }
0xb5: {  	_ =	swait.ge [sflag:s29], $0x1  }
0xb6: {  	[sflag:s29] =	ssyncadd.s32 $0xFFFFFFFF  }
0xb7: {  	_ =	strace $0x90000048  }
0xb8: {  	_ =	sfence  }
0xb9: {  	s30 =	sld [smem:$0x0];
	_ =	sdelay $0x2  }
0xba: {  	s31 =	sshll.u32 s1, $0xD;
	s1 =	sshrl.u32 s1, $0x2  }
0xbb: {  	s3 =	sand.u32 $0x4000, s31;
	s1 =	sadd.s32 s1, s30  }
0xbc: {  	s0 =	sor.u32 s3, s0;
	s1 =	sshll.u32 s1, $0x11  }
0xbd: {  	s0 =	sor.u32 s1, s0  }
0xbe: {  	s0 =	sadd.s32 $0x8F2B, s0  }
0xbf: {  	[sflag:s0] =	ssyncadd.remote.s32 $0x1  }
0xc0: {  	_ =	sfence.sel $0xFFFF  }
0xc1: {  	[dreg:$0x0] =	wrdreg $0xFFFFFFFF;
	(pc) =	sbr.abs _section_cstart, $3  }
0xc2: {  	[dreg:$0x1] =	wrdreg $0xFFFFFFFF  }
0xc3: {  	_ =	task.clear_ibuf [dreg:s8], $0x2FFFF;
	_ =	strace $0x9FFFFFFF  }
0xc4: {  	(tm) =	ssettm $0x7FFFFFFF  }
0xc5: {  	_ =	shalt  }
tec
execute0_lowered:
.L_overlay_start_1:
0x0: {  	(tag) =	ssettag $0x1  }
0x1: {  	s0 =	rddreg [dreg:$0x0];
	s1 =	srdreg.scid  }
0x2: {  	s10 =	stileid.u32;
	s3 =	rddreg [dreg:$0x1]  }
0x3: {  	s4 =	rddreg [dreg:$0x2];
	s12 =	simm.s32 $0x100;
	s13 =	simm.s32 $0x1900  }
0x4: {  	s14 =	simm.s32 $0x5900;
	s16 =	simm.s32 $0x9900;
	s7 =	smul.u32 $0x3200, s10  }
0x5: {  	s18 =	simm.s32 $0xD900;
	s28 =	simm.s32 $0x9;
	s19 =	smul.u32 $0x19000, s10  }
0x6: {  	s29 =	simm.s32 $0x5;
	s1 =	sand.u32 $0x1, s1;
	s20 =	smul.u32 $0xC8000, s10  }
0x7: {  	s31 =	simm.s32 $0x0;
	s2 =	sshll.u32 s10, $0x1;
	s9 =	smul.u32 $0x1900, s1  }
0x8: {  	s3 =	sadd.s32 $0xF42C00, s3;
	s5 =	sor.u32 s1, s2;
	s22 =	smul.u32 $0x64000, s1  }
0x9: {  	s2 =	simm.s32 $0x0;
	s6 =	ssub.s32 $0x2, s1;
	s1 =	smul.u32 $0xC800, s1  }
0xa: {  	s5 =	smul.u32 $0x1900, s5;
	[smem:$0x7FF] =	sst s2;
	s8 =	sshrl.u32 s6, $0x1  }
0xb: {  	s23 =	sadd.s32 s19, s4;
	s19 =	simm.s32 $0x11900;
	_ =	strace $0x80000047  }
0xc: {  	s6 =	ssub.s32 s6, s8;
	s7 =	sadd.s32 s9, s7;
	s5 =	sshrl.u32 s5, $0x3  }
0xd: {  	s21 =	sshll.u32 s7, $0x3;
	s6 =	smax.u32 s6, $0x1;
	s0 =	sadd.s32 s0, s5  }
0xe: {  	[dreg:$0x5] =	wrdreg s6;
	s5 =	sadd.s32 s22, s20;
	s20 =	simm.s32 $0x1  }
0xf: {  	s22 =	simm.s32 $0x2;
	[dreg:$0x4] =	wrdreg s0;
	s0 =	sadd.s32 s4, s21  }
0x10: {  	s24 =	sadd.s32 $0x10000, s5;
	s25 =	sadd.s32 $0xC000, s5;
	s5 =	sadd.s32 $0x8000, s5  }
0x11: {  	s21 =	simm.s32 $0x6;
	s0 =	sadd.s32 $0x800, s0;
	s30 =	sshrl.u32 s5, $0x3  }
0x12: {  	[dreg:$0x6] =	wrdreg s0;
	s0 =	sadd.s32 s1, s23;
	s1 =	sshrl.u32 s25, $0x3  }
0x13: {  	[dreg:$0x7] =	wrdreg s0;
	s0 =	sshrl.u32 s24, $0x3;
	s26 =	sadd.s32 s1, s4  }
0x14: {  	s23 =	simm.s32 $0x7;
	s0 =	sadd.s32 s0, s4;
	[dreg:$0x9] =	wrdreg s26  }
0x15: {  	s25 =	simm.s32 $0x8;
	[dreg:$0x8] =	wrdreg s0;
	s0 =	sadd.s32 s30, s4  }
0x16: {  	s24 =	simm.s32 $0x3;
	s26 =	simm.s32 $0x4;
	[dreg:$0xa] =	wrdreg s0  }
.LBB2_1:
0x17: {  	s0 =	rddreg [dreg:$0x4];
	s10 =	simm.s32 $0xB  }
0x18: {  	[tilespmem:s2], [sflag:$0xB] =	stream.linear.gather [hbm4b:s0+s2], $0x1900, $0x38;
	[tilespmem:$0x15900] =	vst v63  }
0x19: {  	_ =	swait.ge [sflag:s10], $0x1900  }
0x1a: {  	[sflag:s10] =	ssyncset.done $0x0  }
0x1b: {  	[sflag:s10] =	ssyncadd.s32 $0xFFFFE700  }
0x1c: {  	[tilespmem:s13], [sflag:$0x1] =	stream.indirect.gather [hbm4b:s3+s12], $0x40, s2, s12, $0xb8;
	[tilespmem:$0x15900] =	vst v63  }
0x1d: {  	_ = 	snop  }
0x1e: {  	[tilespmem:s14], [sflag:$0x2] =	stream.indirect.gather [hbm4b:s3+s12], $0x40, s12, s12, $0xb8;
	[tilespmem:$0x15900] =	vst v63  }
0x1f: {  	s11 =	simm.s32 $0x200;
	p0 =	por $0x1, $0x1  }
0x20: {  	[tilespmem:s16], [sflag:$0x3] =	stream.indirect.gather [hbm4b:s3+s12], $0x40, s11, s12, $0xb8;
	[tilespmem:$0x15900] =	vst v63  }
0x21: {  	s15 =	simm.s32 $0x300;
	s0 =	simm.s32 @!p0 $0xA  }
0x22: {  	[tilespmem:s18], [sflag:$0x4] =	stream.indirect.gather [hbm4b:s3+s12], $0x40, s15, s12, $0xb8;
	[tilespmem:$0x15900] =	vst v63  }
0x23: {  	_ =	swait.ge @!p0 [sflag:s0], $0x4000  }
0x24: {  	[sflag:s0] =	ssyncset.done @!p0 $0x0  }
0x25: {  	s17 =	simm.s32 $0x400;
	[sflag:s0] =	ssyncadd.s32 @!p0 $0xFFFFC000  }
0x26: {  	[tilespmem:s19], [sflag:$0x5] =	stream.indirect.gather [hbm4b:s3+s12], $0x40, s17, s12, $0xb8;
	[tilespmem:$0x15900] =	vst v63  }
0x27: {  	_ =	swait.ge [sflag:s20], $0x4000  }
0x28: {  	[sflag:s20] =	ssyncset.done $0x0  }
0x29: {  	s7 =	rddreg [dreg:$0x7];
	[sflag:s20] =	ssyncadd.s32 $0xFFFFC000  }
0x2a: {  	[hbm4b:s7+s2] =	stream.linear.scatter [tilespmem:s13], [sflag:$0x6], $0x4000, $0x38;
	[tilespmem:$0x15900] =	vst v63  }
0x2b: {  	p0 =	por $0x0, $0x0;
	_ =	swait.ge [sflag:s21], $0x4000  }
0x2c: {  	s0 =	simm.s32 @!p0 $0x1900;
	[sflag:s21] =	ssyncset.done $0x0  }
0x2d: {  	s1 =	simm.s32 @!p0 $0x500;
	s5 =	simm.s32 @!p0 $0x100;
	[sflag:s21] =	ssyncadd.s32 $0xFFFFC000  }
0x2e: {  	[tilespmem:s0], [sflag:$0x1] =	stream.indirect.gather @!p0 [hbm4b:s3+s5], $0x40, s1, s5, $0xb8;
	[tilespmem:$0x15900] =	vst v63  }
0x2f: {  	_ =	swait.ge [sflag:s22], $0x4000  }
0x30: {  	[sflag:s22] =	ssyncset.done $0x0  }
0x31: {  	s6 =	rddreg [dreg:$0x6];
	[sflag:s22] =	ssyncadd.s32 $0xFFFFC000  }
0x32: {  	[hbm4b:s6+s2] =	stream.linear.scatter [tilespmem:s14], [sflag:$0x7], $0x4000, $0x38;
	[tilespmem:$0x15900] =	vst v63  }
0x33: {  	_ =	swait.ge [sflag:s23], $0x4000  }
0x34: {  	[sflag:s23] =	ssyncset.done $0x0  }
0x35: {  	s0 =	simm.s32 @!p0 $0x600;
	s1 =	simm.s32 @!p0 $0x5900;
	[sflag:s23] =	ssyncadd.s32 $0xFFFFC000  }
0x36: {  	[tilespmem:s1], [sflag:$0x2] =	stream.indirect.gather @!p0 [hbm4b:s3+s5], $0x40, s0, s5, $0xb8;
	[tilespmem:$0x15900] =	vst v63  }
0x37: {  	_ =	swait.ge [sflag:s24], $0x4000  }
0x38: {  	[sflag:s24] =	ssyncset.done $0x0  }
0x39: {  	s8 =	rddreg [dreg:$0xa];
	[sflag:s24] =	ssyncadd.s32 $0xFFFFC000  }
0x3a: {  	[hbm4b:s8+s2] =	stream.linear.scatter [tilespmem:s16], [sflag:$0x8], $0x4000, $0x38;
	[tilespmem:$0x15900] =	vst v63  }
0x3b: {  	_ =	swait.ge [sflag:s25], $0x4000  }
0x3c: {  	[sflag:s25] =	ssyncset.done $0x0  }
0x3d: {  	s0 =	simm.s32 @!p0 $0x700;
	s1 =	simm.s32 @!p0 $0x9900;
	[sflag:s25] =	ssyncadd.s32 $0xFFFFC000  }
0x3e: {  	[tilespmem:s1], [sflag:$0x3] =	stream.indirect.gather @!p0 [hbm4b:s3+s5], $0x40, s0, s5, $0xb8;
	[tilespmem:$0x15900] =	vst v63  }
0x3f: {  	_ =	swait.ge [sflag:s26], $0x4000  }
0x40: {  	[sflag:s26] =	ssyncset.done $0x0  }
0x41: {  	s30 =	rddreg [dreg:$0x9];
	[sflag:s26] =	ssyncadd.s32 $0xFFFFC000  }
0x42: {  	[hbm4b:s30+s2] =	stream.linear.scatter [tilespmem:s18], [sflag:$0x9], $0x4000, $0x38;
	[tilespmem:$0x15900] =	vst v63  }
0x43: {  	_ =	swait.ge [sflag:s28], $0x4000  }
0x44: {  	s4 =	simm.s32 $0x1400;
	s15 =	sadd.s32 $0x2800, s8;
	[sflag:s28] =	ssyncset.done $0x0  }
0x45: {  	s8 =	simm.s32 @!p0 $0xD900;
	s1 =	simm.s32 @!p0 $0x800;
	[sflag:s28] =	ssyncadd.s32 $0xFFFFC000  }
0x46: {  	[tilespmem:s8], [sflag:$0x4] =	stream.indirect.gather @!p0 [hbm4b:s3+s5], $0x40, s1, s5, $0xb8;
	[tilespmem:$0x15900] =	vst v63  }
0x47: {  	p1 =	por $0x0, $0x0;
	s11 =	simm.s32 $0x2800;
	_ =	swait.ge [sflag:s29], $0x4000  }
0x48: {  	s17 =	sadd.s32 $0x2800, s6;
	s0 =	sadd.s32 $0x2800, s30;
	s8 =	rddreg [dreg:$0x8]  }
0x49: {  	s5 =	sadd.s32 $0x2800, s7;
	[sflag:s29] =	ssyncset.done $0x0;
	s1 =	sadd.s32 $0x2800, s8  }
.LBB2_2:
0x4a: {  	s6 =	simm.s32 @!p1 $0xA  }
0x4b: {  	[sflag:s29] =	ssyncadd.s32 $0xFFFFC000;
	s7 =	smov.u32 s11;
	s11 =	sadd.s32 $0x1400, s11  }
0x4c: {  	[hbm4b:s8+s2] =	stream.linear.scatter [tilespmem:s19], [sflag:$0xA], $0x4000, $0x38;
	[tilespmem:$0x15900] =	vst v63  }
0x4d: {  	p0 =	sne.s32 s11, $0x6400;
	s8 =	smov.u32 s1;
	_ =	swait.ge @!p1 [sflag:s6], $0x4000  }
0x4e: {  	s9 =	sshra.s32 s4, $0x2;
	[sflag:s6] =	ssyncset.done @!p1 $0x0  }
0x4f: {  	[sflag:s6] =	ssyncadd.s32 @!p1 $0xFFFFC000;
	s6 =	sadd.s32 $0x400, s9  }
0x50: {  	[tilespmem:s19], [sflag:$0x5] =	stream.indirect.gather [hbm4b:s3+s12], $0x40, s6, s12, $0xb8;
	[tilespmem:$0x15900] =	vst v63  }
0x51: {  	_ =	swait.ge [sflag:s20], $0x4000  }
0x52: {  	[sflag:s20] =	ssyncset.done $0x0  }
0x53: {  	[sflag:s20] =	ssyncadd.s32 $0xFFFFC000  }
0x54: {  	[hbm4b:s5+s2] =	stream.linear.scatter [tilespmem:s13], [sflag:$0x6], $0x4000, $0x38;
	[tilespmem:$0x15900] =	vst v63  }
0x55: {  	p1 =	seq.s32 s4, $0x5000;
	_ =	swait.ge [sflag:s21], $0x4000  }
0x56: {  	s4 =	sshra.s32 @!p1 s4, $0x2;
	s6 =	simm.s32 @!p1 $0x1900;
	[sflag:s21] =	ssyncset.done $0x0  }
0x57: {  	s30 =	simm.s32 @!p1 $0x100;
	s9 =	sadd.s32 @!p1 $0x500, s4;
	[sflag:s21] =	ssyncadd.s32 $0xFFFFC000  }
0x58: {  	[tilespmem:s6], [sflag:$0x1] =	stream.indirect.gather @!p1 [hbm4b:s3+s30], $0x40, s9, s30, $0xb8;
	[tilespmem:$0x15900] =	vst v63  }
0x59: {  	s6 =	sadd.s32 @!p1 $0x600, s4;
	s9 =	sadd.s32 @!p1 $0x700, s4;
	_ =	swait.ge [sflag:s22], $0x4000  }
0x5a: {  	s10 =	sadd.s32 @!p1 $0x800, s4;
	s4 =	smov.u32 s7;
	[sflag:s22] =	ssyncset.done $0x0  }
0x5b: {  	[sflag:s22] =	ssyncadd.s32 $0xFFFFC000  }
0x5c: {  	[hbm4b:s17+s2] =	stream.linear.scatter [tilespmem:s14], [sflag:$0x7], $0x4000, $0x38;
	[tilespmem:$0x15900] =	vst v63  }
0x5d: {  	_ =	swait.ge [sflag:s23], $0x4000  }
0x5e: {  	[sflag:s23] =	ssyncset.done $0x0  }
0x5f: {  	s7 =	simm.s32 @!p1 $0x5900;
	[sflag:s23] =	ssyncadd.s32 $0xFFFFC000  }
0x60: {  	[tilespmem:s7], [sflag:$0x2] =	stream.indirect.gather @!p1 [hbm4b:s3+s30], $0x40, s6, s30, $0xb8;
	[tilespmem:$0x15900] =	vst v63  }
0x61: {  	_ =	swait.ge [sflag:s24], $0x4000  }
0x62: {  	[sflag:s24] =	ssyncset.done $0x0  }
0x63: {  	[sflag:s24] =	ssyncadd.s32 $0xFFFFC000  }
0x64: {  	[hbm4b:s15+s2] =	stream.linear.scatter [tilespmem:s16], [sflag:$0x8], $0x4000, $0x38;
	[tilespmem:$0x15900] =	vst v63  }
0x65: {  	_ =	swait.ge [sflag:s25], $0x4000  }
0x66: {  	[sflag:s25] =	ssyncset.done $0x0  }
0x67: {  	s6 =	simm.s32 @!p1 $0x9900;
	[sflag:s25] =	ssyncadd.s32 $0xFFFFC000  }
0x68: {  	[tilespmem:s6], [sflag:$0x3] =	stream.indirect.gather @!p1 [hbm4b:s3+s30], $0x40, s9, s30, $0xb8;
	[tilespmem:$0x15900] =	vst v63  }
0x69: {  	_ =	swait.ge [sflag:s26], $0x4000  }
0x6a: {  	[sflag:s26] =	ssyncset.done $0x0  }
0x6b: {  	[sflag:s26] =	ssyncadd.s32 $0xFFFFC000  }
0x6c: {  	[hbm4b:s0+s2] =	stream.linear.scatter [tilespmem:s18], [sflag:$0x9], $0x4000, $0x38;
	[tilespmem:$0x15900] =	vst v63  }
0x6d: {  	_ =	swait.ge [sflag:s28], $0x4000  }
.Ltmp0:
0x6e: {  	s15 =	sadd.s32 $0x2800, s15;
	[sflag:s28] =	ssyncset.done $0x0;
	(pc) =	sbr.rel @p0 .LBB2_2-.Ltmp0, $4  }
0x6f: {  	s6 =	simm.s32 @!p1 $0xD900;
	s0 =	sadd.s32 $0x2800, s0;
	[sflag:s28] =	ssyncadd.s32 $0xFFFFC000  }
0x70: {  	[tilespmem:s6], [sflag:$0x4] =	stream.indirect.gather @!p1 [hbm4b:s3+s30], $0x40, s10, s30, $0xb8;
	[tilespmem:$0x15900] =	vst v63  }
0x71: {  	s1 =	sadd.s32 $0x2800, s1;
	s5 =	sadd.s32 $0x2800, s5;
	_ =	swait.ge [sflag:s29], $0x4000  }
0x72: {  	s17 =	sadd.s32 $0x2800, s17;
	p1 =	seq.s32 s4, $0x0;
	[sflag:s29] =	ssyncset.done $0x0  }
0x73: {  	s6 =	simm.s32 @!p1 $0xA;
	[sflag:s29] =	ssyncadd.s32 $0xFFFFC000  }
0x74: {  	[hbm4b:s8+s2] =	stream.linear.scatter [tilespmem:s19], [sflag:$0xA], $0x4000, $0x38;
	[tilespmem:$0x15900] =	vst v63  }
0x75: {  	_ =	swait.ge @!p1 [sflag:s6], $0x4000  }
0x76: {  	s7 =	sshra.s32 s4, $0x2;
	[sflag:s6] =	ssyncset.done @!p1 $0x0  }
0x77: {  	s11 =	sadd.s32 $0x400, s7;
	[sflag:s6] =	ssyncadd.s32 @!p1 $0xFFFFC000  }
0x78: {  	[tilespmem:s19], [sflag:$0x5] =	stream.indirect.gather [hbm4b:s3+s12], $0x40, s11, s12, $0xb8;
	[tilespmem:$0x15900] =	vst v63  }
0x79: {  	_ =	swait.ge [sflag:s20], $0x4000  }
0x7a: {  	[sflag:s20] =	ssyncset.done $0x0  }
0x7b: {  	[sflag:s20] =	ssyncadd.s32 $0xFFFFC000  }
0x7c: {  	[hbm4b:s5+s2] =	stream.linear.scatter [tilespmem:s13], [sflag:$0x6], $0x4000, $0x38;
	[tilespmem:$0x15900] =	vst v63  }
0x7d: {  	p0 =	seq.s32 s4, $0x5000;
	_ =	swait.ge [sflag:s21], $0x4000  }
0x7e: {  	s4 =	sshra.s32 @!p0 s4, $0x2;
	s7 =	simm.s32 @!p0 $0x100;
	[sflag:s21] =	ssyncset.done $0x0  }
0x7f: {  	s6 =	sadd.s32 @!p0 $0x500, s4;
	s5 =	simm.s32 @!p0 $0x1900;
	[sflag:s21] =	ssyncadd.s32 $0xFFFFC000  }
0x80: {  	[tilespmem:s5], [sflag:$0x1] =	stream.indirect.gather @!p0 [hbm4b:s3+s7], $0x40, s6, s7, $0xb8;
	[tilespmem:$0x15900] =	vst v63  }
0x81: {  	_ =	swait.ge [sflag:s22], $0x4000  }
0x82: {  	[sflag:s22] =	ssyncset.done $0x0  }
0x83: {  	[sflag:s22] =	ssyncadd.s32 $0xFFFFC000  }
0x84: {  	[hbm4b:s17+s2] =	stream.linear.scatter [tilespmem:s14], [sflag:$0x7], $0x4000, $0x38;
	[tilespmem:$0x15900] =	vst v63  }
0x85: {  	_ =	swait.ge [sflag:s23], $0x4000  }
0x86: {  	[sflag:s23] =	ssyncset.done $0x0  }
0x87: {  	s5 =	sadd.s32 @!p0 $0x600, s4;
	s6 =	simm.s32 @!p0 $0x5900;
	[sflag:s23] =	ssyncadd.s32 $0xFFFFC000  }
0x88: {  	[tilespmem:s6], [sflag:$0x2] =	stream.indirect.gather @!p0 [hbm4b:s3+s7], $0x40, s5, s7, $0xb8;
	[tilespmem:$0x15900] =	vst v63  }
0x89: {  	_ =	swait.ge [sflag:s24], $0x4000  }
0x8a: {  	[sflag:s24] =	ssyncset.done $0x0  }
0x8b: {  	[sflag:s24] =	ssyncadd.s32 $0xFFFFC000  }
0x8c: {  	[hbm4b:s15+s2] =	stream.linear.scatter [tilespmem:s16], [sflag:$0x8], $0x4000, $0x38;
	[tilespmem:$0x15900] =	vst v63  }
0x8d: {  	_ =	swait.ge [sflag:s25], $0x4000  }
0x8e: {  	[sflag:s25] =	ssyncset.done $0x0  }
0x8f: {  	s5 =	sadd.s32 @!p0 $0x700, s4;
	s6 =	simm.s32 @!p0 $0x9900;
	[sflag:s25] =	ssyncadd.s32 $0xFFFFC000  }
0x90: {  	[tilespmem:s6], [sflag:$0x3] =	stream.indirect.gather @!p0 [hbm4b:s3+s7], $0x40, s5, s7, $0xb8;
	[tilespmem:$0x15900] =	vst v63  }
0x91: {  	_ =	swait.ge [sflag:s26], $0x4000  }
0x92: {  	[sflag:s26] =	ssyncset.done $0x0  }
0x93: {  	[sflag:s26] =	ssyncadd.s32 $0xFFFFC000  }
0x94: {  	[hbm4b:s0+s2] =	stream.linear.scatter [tilespmem:s18], [sflag:$0x9], $0x4000, $0x38;
	[tilespmem:$0x15900] =	vst v63  }
0x95: {  	_ =	swait.ge [sflag:s28], $0x4000  }
0x96: {  	[sflag:s28] =	ssyncset.done $0x0  }
0x97: {  	s0 =	sadd.s32 @!p0 $0x800, s4;
	s4 =	simm.s32 @!p0 $0xD900;
	[sflag:s28] =	ssyncadd.s32 $0xFFFFC000  }
0x98: {  	[tilespmem:s4], [sflag:$0x4] =	stream.indirect.gather @!p0 [hbm4b:s3+s7], $0x40, s0, s7, $0xb8;
	[tilespmem:$0x15900] =	vst v63  }
0x99: {  	_ =	swait.ge [sflag:s29], $0x4000  }
0x9a: {  	[sflag:s29] =	ssyncset.done $0x0  }
0x9b: {  	s17 =	simm.s32 $0xA;
	[sflag:s29] =	ssyncadd.s32 $0xFFFFC000  }
0x9c: {  	[hbm4b:s1+s2] =	stream.linear.scatter [tilespmem:s19], [sflag:$0xA], $0x4000, $0x38;
	[tilespmem:$0x15900] =	vst v63  }
0x9d: {  	_ =	swait.ge [sflag:s17], $0x4000  }
0x9e: {  	s31 =	sadd.s32 $0x1, s31;
	s30 =	rddreg [dreg:$0x5]  }
0x9f: {  	p0 =	sne.s32 s31, s30  }
.Ltmp1:
0xa0: {  	_ = 	snop;
	(pc) =	sbr.rel @p0 .LBB2_1-.Ltmp1, $3  }
0xa1: {  	_ =	sdelay $0x1  }
0xa2: {  	[sflag:s17] =	ssyncset.done $0x0  }
0xa3: {  	[sflag:s17] =	ssyncadd.s32 $0xFFFFC000  }
0xa4: {  	_ =	sfence.sel $0x180000  }
0xa5: {  	[bflag:$0x0] =	sbarrier.arrive $0xFFFF  }
0xa6: {  	_ =	strace $0x90000047  }
0xa7: {  	s0 =	stileid.u32;
	[bflag:$0x2] =	sbarrier.arrive $0xFFFF  }
0xa8: {  	p0 =	sne.s32 s0, $0x0;
	s0 =	rddreg [dreg:$0x3]  }
0xa9: {  	s0 =	sadd.s32 @!p0 $0x100000, s0  }
0xaa: {  	[sflag:s0] =	ssyncadd.tile.s32 @!p0 $0x1;
	_ =	shalt  }
.Lfunc_end2:
_tile_overlayer_lowered:
.L_overlay_start_2:
0xab: {  	(tag) =	ssettag $0x2  }
0xac: {  	s0 =	rddreg [dreg:$0x0];
	s2 =	stileid.u32  }
0xad: {  	s1 =	rddreg [dreg:$0x1];
	p0 =	sne.s32 s2, $0x0  }
0xae: {  	s3 =	rddreg [dreg:$0x2];
	[bflag:$0x3] =	sbarrier.arrive $0xFFFF;
	s2 =	simm.s32 @!p0 $0x1C0B  }
0xaf: {  	[timem:s3], [sflag:s2] =	dma.local @!p0 [hbm:s0], s1  }
0xb0: {  	s0 =	simm.s32 @!p0 $0xB  }
0xb1: {  	_ =	swait.ge @!p0 [sflag:s0], s1  }
0xb2: {  	s1 =	ssub.s32 @!p0 $0x0, s1;
	[sflag:s0] =	ssyncset.done @!p0 $0x0  }
0xb3: {  	[sflag:s0] =	ssyncadd.s32 @!p0 s1  }
0xb4: {  	[bflag:$0x3] =	sbarrier.arrive $0xFFFF  }
0xb5: {  	_ =	shalt  }

// kernel: sparse-core-data-format-call.cloned.1.call-start
scs
called_computation_lowered:
.L_overlay_start_0:
0x0: {  	s2 =	sld [smem:$0x3FD9]  }
0x1: {  	s3 =	sld [smem:$0x3FFE];
	_ =	sdelay $0x1  }
0x2: {  	s1 =	srdreg.scid  }
0x3: {  	s0 =	sand.u32 $0x1, s1  }
0x4: {  	s18 =	sshll.u32 s0, $0xA;
	s2 =	sadd.s32 s3, s2  }
0x5: {  	s2 =	sadd.s32 s2, s18  }
0x6: {  	[smem:$0x3FC6] =	sst s2  }
0x7: {  	_ = 	snop  }
0x8: {  	s2 =	sld [smem:$0x3FD0];
	(tm) =	ssettm $0x1  }
0x9: {  	s19 =	sld [smem:$0x3FFB];
	_ =	sdelay $0x3  }
0xa: {  	_ =	strace s19  }
0xb: {  	s3 =	sld [smem:$0x3FFC];
	_ =	sdelay $0x3  }
0xc: {  	_ =	strace s3  }
0xd: {  	s3 =	sld [smem:$0x3FFD];
	_ =	sdelay $0x3  }
0xe: {  	_ =	strace s3  }
0xf: {  	_ =	strace $0x8FFFFFFF  }
0x10: {  	s20 =	sld [smem:$0x3FDB];
	_ =	sdelay $0x1  }
0x11: {  	s4 =	simm.s32 $_scs_section_size  }
0x12: {  	s5 =	simm.s32 $_size__tile_overlayer_lowered;
	s6 =	simm.s32 $_tile_overlayer_lowered  }
0x13: {  	s23 =	simm.s32 $0x1BFF;
	s22 =	sshll.u32 s6, $0x1;
	s3 =	sadd.s32 s4, s20  }
0x14: {  	s7 =	simm.s32 $0x0;
	s21 =	sshll.u32 s5, $0x1;
	s5 =	sadd.s32 s22, s3  }
0x15: {  	[timem:s7], [sflag:s23] =	dma.local [hbm:s5], s21  }
0x16: {  	_ =	swait.ge [sflag:s23], s21  }
0x17: {  	s4 =	ssub.s32 $0x0, s21;
	[sflag:s23] =	ssyncset.done $0x0  }
0x18: {  	[sflag:s23] =	ssyncadd.s32 s4;
	_ =	sdelay $0x1  }
0x19: {  	s24 =	simm.s32 $0x1B8B  }
0x1a: {  	_ =	swait.ge [sflag:s24], $0x1  }
0x1b: {  	[sflag:s24] =	ssyncset.done $0x0  }
0x1c: {  	s26 =	simm.s32 $0x1B8E;
	s25 =	sld [smem:$0x3FFE];
	[sflag:s24] =	ssyncadd.s32 $0xFFFFFFFF  }
0x1d: {  	s27 =	simm.s32 $execute0_lowered;
	[smem:$0x3FD2] =	sst s26  }
0x1e: {  	s5 =	sshll.u32 s27, $0x1;
	_ =	strace $0x80000049;
	[dreg:$0x1] =	wrdreg $0xFFFFFFFF  }
0x1f: {  	s28 =	simm.s32 $_size_execute0_lowered;
	s3 =	sadd.s32 s3, s5;
	[dreg:$0x0] =	wrdreg $0x0  }
0x20: {  	s5 =	sshll.u32 s28, $0x1;
	[dreg:$0x2] =	wrdreg s3  }
0x21: {  	[dreg:$0x3] =	wrdreg s5  }
0x22: {  	[dreg:$0x4] =	wrdreg $0xC0  }
0x23: {  	_ =	task [dreg:s7], $0x5FFFF  }
0x24: {  	[dreg:$0x1] =	wrdreg $0xFFFFFFFF  }
0x25: {  	[dreg:$0x0] =	wrdreg $0x60  }
0x26: {  	[dreg:$0x2] =	wrdreg s25  }
0x27: {  	[dreg:$0x3] =	wrdreg s2  }
0x28: {  	[dreg:$0x4] =	wrdreg $0x9  }
0x29: {  	_ =	task.clear_ibuf [dreg:s7], $0x5FFFF;
	_ =	strace $0x90000049  }
0x2a: {  	s29 =	simm.s32 $0x9;
	_ =	strace $0x8000004B  }
0x2b: {  	_ =	swait.ge [sflag:s29], $0x1  }
0x2c: {  	[sflag:s29] =	ssyncadd.s32 $0xFFFFFFFF  }
0x2d: {  	_ =	strace $0x9000004B  }
0x2e: {  	_ =	sfence  }
0x2f: {  	s30 =	sld [smem:$0x0];
	_ =	sdelay $0x2  }
0x30: {  	s31 =	sshll.u32 s1, $0xD;
	s1 =	sshrl.u32 s1, $0x2  }
0x31: {  	s3 =	sand.u32 $0x4000, s31;
	s1 =	sadd.s32 s1, s30  }
0x32: {  	s0 =	sor.u32 s3, s0;
	s1 =	sshll.u32 s1, $0x11  }
0x33: {  	s0 =	sor.u32 s1, s0  }
0x34: {  	s0 =	sadd.s32 $0x8F2B, s0  }
0x35: {  	[sflag:s0] =	ssyncadd.remote.s32 $0x1  }
0x36: {  	_ =	sfence.sel $0xFFFF  }
0x37: {  	[dreg:$0x0] =	wrdreg $0xFFFFFFFF;
	(pc) =	sbr.abs _section_cstart, $3  }
0x38: {  	[dreg:$0x1] =	wrdreg $0xFFFFFFFF  }
0x39: {  	_ =	task.clear_ibuf [dreg:s7], $0x2FFFF;
	_ =	strace $0x9FFFFFFF  }
0x3a: {  	(tm) =	ssettm $0x7FFFFFFF  }
0x3b: {  	_ =	shalt  }
tec
execute0_lowered:
.L_overlay_start_1:
0x0: {  	(tag) =	ssettag $0x1  }
0x1: {  	s0 =	srdreg.scid  }
0x2: {  	s1 =	sshll.u32 s0, $0x4  }
0x3: {  	s4 =	rddreg [dreg:$0x0];
	s0 =	stileid.u32;
	s1 =	sand.u32 $0x10, s1  }
0x4: {  	s2 =	rddreg [dreg:$0x1];
	s7 =	simm.s32 $0x1;
	s1 =	sor.u32 s0, s1  }
0x5: {  	s8 =	simm.s32 $0x2;
	s11 =	simm.s32 $0x0;
	s3 =	sshll.u32 s1, $0x7  }
0x6: {  	s10 =	simm.s32 $0x0;
	s4 =	sadd.s32 $0x800, s4;
	s6 =	ssub.s32 $0x32000, s3  }
.Ltmp0:
0x7: {  	s1 =	rddreg [dreg:$0x2];
	s5 =	sand.u32 $0xF80, s6;
	(pc) =	sbr.rel .LBB1_1-.Ltmp0, $4  }
0x8: {  	_ =	strace $0x8000004A;
	s9 =	smov.u32 s3;
	p0 =	sne.s32 s5, $0x0  }
0x9: {  	s6 =	sshrl.u32 s6, $0xC;
	s5 =	simm.s32 $0x1;
	s7 =	simm.s32 @!p0 $0x0  }
0xa: {  	[sflag:s5] =	ssyncpa.u1 $0x0;
	p0 =	por $0x0, $0x0;
	s6 =	sadd.s32 s7, s6  }
0xb: {  	[sflag:s8] =	ssyncpa.u1 $0x0;
	s8 =	simm.s32 $0x190000;
	s7 =	sadd.s32 $0x1, s6  }
.LBB1_4:
0xc: {  	s14 =	sshll.u32 s11, $0x3  }
0xd: {  	s30 =	sand.u32 $0x7F, s11;
	s15 =	sand.u32 $0xFFFFFC00, s14  }
0xe: {  	s11 =	sor.u32 s30, s15  }
0xf: {  	s15 =	smulhi.u32 $0x51EB851F, s11  }
0x10: {  	s14 =	smulhi.u32 $0x51EB851F, s14  }
0x11: {  	s15 =	sshrl.u32 s15, $0x10  }
0x12: {  	s14 =	sshrl.u32 s14, $0x10;
	s15 =	smul.u32 $0x32000, s15  }
0x13: {  	s14 =	sand.u32 $0x3F, s14  }
0x14: {  	s14 =	smul.u32 $0x6400, s14;
	s11 =	ssub.s32 s11, s15  }
0x15: {  	[tilespmem:s13+$0x810 ss:$0x81] =	vst.msk $0xffff, v2;
	s15 =	sand.u32 $0x7, s11  }
0x16: {  	[tilespmem:s13+$0x1020 ss:$0x81] =	vst.msk $0xffff, v0;
	s14 =	sadd.s32 s2, s14;
	s11 =	sshrl.u32 s11, $0x3;
	s15 =	sshll.u32 s15, $0x12  }
0x17: {  	[tilespmem:s13+$0x0 ss:$0x81] =	vst.msk $0xffff, v1;
	s11 =	sadd.s32 s11, s14;
	s31 =	sor.u32 $0x400, s15  }
0x18: {  	[hbm4b:s11+s31] =	stream.strided.scatter [tilespmem:s12], [sflag:$0x2], $0x2000, s8, s31, $0x20;
	[tilespmem:$0x8080] =	vst v63  }
.LBB1_5:
0x19: {  	s13 =	sadd.s32 $0x1000, s9  }
0x1a: {  	p2 =	sgt.s32 s13, $0x31FFF  }
0x1b: {  	s13 =	smov.u32 @p2 s3;
	p2 =	sne.s32 s10, s7  }
.Ltmp1:
0x1c: {  	p1 =	slt.u32 s10, $0x2;
	(pc) =	sbr.rel @!p2 .LBB1_6-.Ltmp1, $4  }
0x1d: {  	s12 =	simm.s32 @!p1 $0x2  }
0x1e: {  	s14 =	sadd.s32 $0x1, s10;
	_ =	swait.ge @!p1 [sflag:s12], $0x2000  }
0x1f: {  	s11 =	smov.u32 s9;
	p0 =	por !p0, !p0;
	[sflag:s12] =	ssyncset.done @!p1 $0x0  }
0x20: {  	s10 =	smov.u32 s14;
	s9 =	smov.u32 s13;
	[sflag:s12] =	ssyncadd.s32 @!p1 $0xFFFFE000  }
.LBB1_1:
0x21: {  	p1 =	sge.u32 s10, s6  }
0x22: {  	s12 =	sand.u32 @!p1 $0x1FFFFFF, s9  }
0x23: {  	s13 =	smulhi.u32 @!p1 $0x147AE15, s12;
	_ =	sdelay $0x1  }
0x24: {  	s13 =	sshrl.u32 @!p1 s13, $0xA  }
0x25: {  	s13 =	smul.u32 @!p1 $0x32000, s13;
	_ =	sdelay $0x1  }
0x26: {  	s31 =	sadd.s32 $0xFFFFFFFF, s10;
	s14 =	sxor.u32 @!p1 $0xFFFFFFFF, s10;
	s12 =	ssub.s32 @!p1 s12, s13  }
0x27: {  	s15 =	simm.s32 @!p1 $0x80;
	s14 =	sshll.u32 @!p1 s14, $0xD;
	s12 =	sshll.u32 @!p1 s12, $0x4  }
0x28: {  	s13 =	sand.u32 @!p1 $0x2000, s14;
	s14 =	simm.s32 @!p1 $0x40;
	s12 =	sadd.s32 @!p1 s4, s12  }
0x29: {  	[tilespmem:s13], [sflag:$0x1] =	stream.strided.gather @!p1 [hbm4b:s12+s14], $0x2000, s15, s14, $0x38;
	[tilespmem:$0x8080] =	vst v63  }
0x2a: {  	p1 =	sge.u32 s31, s6  }
.Ltmp2:
0x2b: {  	_ = 	snop;
	(pc) =	sbr.rel @p1 .LBB1_5-.Ltmp2, $1  }
0x2c: {  	_ =	sdelay $0x3  }
0x2d: {  	s12 =	simm.s32 $0x1  }
0x2e: {  	_ =	swait.ge [sflag:s5], $0x2000;
	s12 =	simm.s32 @!p0 $0x0  }
0x2f: {  	[sflag:s5] =	ssyncset.done $0x0;
	s13 =	sshll.u32 s12, $0xD  }
0x30: {  	[sflag:s5] =	ssyncadd.s32 $0xFFFFE000;
	s16 =	sor.u32 $0x20, s13  }
0x31: {  	s12 =	smul.u32 $0x8100, s12;
	v3 =	vld [tilespmem:s16+$0x10]  }
0x32: {  	s30 =	sand.u32 $0x1, s10;
	v2 =	vld [tilespmem:s16+$0xFFFFFFF0]  }
0x33: {  	s13 =	smul.u32 $0x8100, s30;
	s12 =	sshrl.u32 s12, $0x2;
	v0 =	vld [tilespmem:s16+$0x0]  }
0x34: {  	v1 =	vld [tilespmem:s16+$0xFFFFFFE0];
	s14 =	sor.u32 $0x4000, s12  }
0x35: {  	s31 =	sshrl.u32 s13, $0x2;
	s13 =	sadd.s32 $0x0, s14  }
0x36: {  	s15 =	simm.s32 $0x4;
	s16 =	sadd.s32 $0x40, s16;
	s12 =	sor.u32 $0x4000, s31;
	[tilespmem:s13+$0x1830 ss:$0x81] =	vst.msk $0xffff, v3  }
.LBB1_3:
0x37: {  	v3 =	vld [tilespmem:s16+$0x10];
	p1 =	sne.s32 s15, $0x1FC;
	[tilespmem:s13+$0x810 ss:$0x81] =	vst.msk $0xffff, v2;
	s17 =	smov.u32 s15;
	s15 =	sadd.s32 $0x4, s15  }
.Ltmp3:
0x38: {  	v2 =	vld [tilespmem:s16+$0xFFFFFFF0];
	[tilespmem:s13+$0x1020 ss:$0x81] =	vst.msk $0xffff, v0;
	(pc) =	sbr.rel @p1 .LBB1_3-.Ltmp3, $4  }
0x39: {  	v0 =	vld [tilespmem:s16+$0x0];
	[tilespmem:s13+$0x0 ss:$0x81] =	vst.msk $0xffff, v1  }
0x3a: {  	s13 =	sshra.s32 s17, $0x2;
	v1 =	vld [tilespmem:s16+$0xFFFFFFE0]  }
0x3b: {  	s13 =	sadd.s32 s13, s14  }
0x3c: {  	s16 =	sadd.s32 $0x40, s16;
	[tilespmem:s13+$0x1830 ss:$0x81] =	vst.msk $0xffff, v3  }
.Ltmp4:
0x3d: {  	_ = 	snop;
	(pc) =	sbr.rel .LBB1_4-.Ltmp4, $1  }
0x3e: {  	_ =	sdelay $0x3  }
.LBB1_6:
0x3f: {  	_ =	sfence.sel $0x180000  }
0x40: {  	s2 =	simm.s32 $0x1;
	[bflag:$0x0] =	sbarrier.arrive $0xFFFF  }
0x41: {  	s31 =	simm.s32 $0x2;
	[sflag:s2] =	ssyncpa.u1 $0x1  }
0x42: {  	[sflag:s31] =	ssyncpa.u1 $0x1  }
0x43: {  	p0 =	sne.s32 s0, $0x0;
	_ =	strace $0x9000004A  }
0x44: {  	s0 =	sadd.s32 @!p0 $0x100000, s1;
	[bflag:$0x2] =	sbarrier.arrive $0xFFFF  }
0x45: {  	[sflag:s0] =	ssyncadd.tile.s32 @!p0 $0x1;
	_ =	shalt  }
.Lfunc_end1:
_tile_overlayer_lowered:
.L_overlay_start_2:
0x46: {  	(tag) =	ssettag $0x2  }
0x47: {  	s0 =	rddreg [dreg:$0x0];
	s2 =	stileid.u32  }
0x48: {  	s1 =	rddreg [dreg:$0x1];
	p0 =	sne.s32 s2, $0x0  }
0x49: {  	s3 =	rddreg [dreg:$0x2];
	[bflag:$0x3] =	sbarrier.arrive $0xFFFF;
	s2 =	simm.s32 @!p0 $0x1C01  }
0x4a: {  	[timem:s3], [sflag:s2] =	dma.local @!p0 [hbm:s0], s1  }
0x4b: {  	s0 =	simm.s32 @!p0 $0x1  }
0x4c: {  	_ =	swait.ge @!p0 [sflag:s0], s1  }
0x4d: {  	s1 =	ssub.s32 @!p0 $0x0, s1;
	[sflag:s0] =	ssyncset.done @!p0 $0x0  }
0x4e: {  	[sflag:s0] =	ssyncadd.s32 @!p0 s1  }
0x4f: {  	[bflag:$0x3] =	sbarrier.arrive $0xFFFF  }
0x50: {  	_ =	shalt  }

</sc_bundles>
